<compile_context>
chip_gen: v7x
topology: tpu7x:2x2x1
jax: 0.10.2.dev20260603
libtpu: 0.0.44.dev20260713+nightly
codegen_flags: <defaults>
</compile_context>

<pallas_src>
import functools

import jax
import jax.numpy as jnp
from jax import lax
from jax.experimental import pallas as pl
from jax.experimental.pallas import tpu as pltpu
from jax.experimental.pallas import tpu_sc as plsc

MASK_LEN = 4915
B, T, D = 4, 8192, 1024

NC, NS = 2, 16
WPR = (NC * NS) // B
ROWS_PER_CORE = B // NC

CP = 416
CSUB = CP // 4
SUF0 = T - CP * WPR
FILL_CORE = (MASK_LEN - 11) // 8 * 8
FILL = 616
FILL_LAST = FILL_CORE - FILL * (WPR - 1)
FSUB = 80
TILE_ROWS = 1920
MT_SRC = 64
N_WIN = TILE_ROWS // FSUB


def _sc_body(x_hbm, start_hbm, mt64_hbm, out_hbm, idx_v, tile_sh, sem_i, sem_c):
    sid = lax.axis_index("s")
    cid = lax.axis_index("c")
    row = ROWS_PER_CORE * cid + sid // WPR
    j = sid % WPR

    n_groups = TILE_ROWS // MT_SRC
    init_groups = []
    for g in range(-(-n_groups // NS)):
        gi = g * NS + sid if g * NS + NS <= n_groups else g * NS + sid
        cond = None if g * NS + NS <= n_groups else (g * NS + sid < n_groups)
        init_groups.append((gi, cond))
    for gi, cond in init_groups:
        def cpy(gi=gi):
            pltpu.async_copy(mt64_hbm, tile_sh.at[pl.ds(gi * MT_SRC, MT_SRC)],
                             sem_i)
        if cond is None:
            cpy()
        else:
            pl.when(cond)(cpy)

    pltpu.sync_copy(start_hbm, idx_v)
    v = idx_v[...]
    s = v[0]
    for i in range(1, B):
        s = jnp.where(row == i, v[i], s)

    pre_off = j * CP
    suf_off = SUF0 + j * CP
    cond_p = pre_off < s
    cond_s = suf_off + CP > s + MASK_LEN

    def copy_descs(off):
        return [(off + k * CSUB, CSUB) for k in range(CP // CSUB)]

    for issue in (True, False):
        for cond, off0 in ():
            def do(off0=off0, issue=issue):
                for o, n in copy_descs(off0):
                    d = pltpu.make_async_copy(x_hbm.at[row, pl.ds(o, n)],
                                              out_hbm.at[row, pl.ds(o, n)], sem_c)
                    d.start() if issue else d.wait()
            pl.when(cond)(do)
        if issue:
            for gi, cond in init_groups:
                def drn(gi=gi):
                    pltpu.make_async_copy(
                        mt64_hbm, tile_sh.at[pl.ds(gi * MT_SRC, MT_SRC)],
                        sem_i).wait()
                if cond is None:
                    drn()
                else:
                    pl.when(cond)(drn)

    plsc.subcore_barrier()

    base = pl.multiple_of((s & -8) + 8, 8)

    def make_fill(issue):
        def run_chunks(nrows):
            done, k = 0, 0
            while done < nrows:
                n = min(FSUB, nrows - done)
                w = (j * 8 + k) % N_WIN
                o = pl.multiple_of(base + j * FILL + done, 8)
                d = pltpu.make_async_copy(tile_sh.at[pl.ds(w * FSUB, n)],
                                          out_hbm.at[row, pl.ds(o, n)], sem_c)
                d.start() if issue else d.wait()
                done += n
                k += 1

        @pl.when(j < WPR - 1)
        def _():
            run_chunks(FILL)

        @pl.when(j == WPR - 1)
        def _():
            run_chunks(FILL_LAST)
            end_al = (s + MASK_LEN) & -8
            @pl.when(end_al - base > FILL_CORE)
            def _():
                d = pltpu.make_async_copy(
                    tile_sh.at[pl.ds(0, 8)],
                    out_hbm.at[row, pl.ds(pl.multiple_of(base + FILL_CORE, 8), 8)],
                    sem_c)
                d.start() if issue else d.wait()

    make_fill(True)
    make_fill(False)


@functools.partial(
    pl.kernel,
    out_type=jax.ShapeDtypeStruct((B, T, D), jnp.float32),
    mesh=plsc.VectorSubcoreMesh(core_axis_name="c", subcore_axis_name="s"),
    scratch_types=[
        pltpu.VMEM((16,), jnp.int32),
        pltpu.VMEM_SHARED((TILE_ROWS, D), jnp.float32),
        pltpu.SemaphoreType.DMA,
        pltpu.SemaphoreType.DMA,
    ],
)
def _sc_cutout(x_hbm, start_hbm, mt64_hbm, out_hbm, idx_v, tile_sh, sem_i, sem_c):
    _sc_body(x_hbm, start_hbm, mt64_hbm, out_hbm, idx_v, tile_sh, sem_i, sem_c)


def _patch_body(start_ref, xm_any, x_ref, mt_ref, out_ref):
    b = pl.program_id(0)
    e = pl.program_id(1)
    s = start_ref[b]
    blk = jnp.where(e == 0, s >> 3, (s + MASK_LEN) >> 3)
    pos = blk * 8 + lax.broadcasted_iota(jnp.int32, (8, 1), 0)
    m = (pos >= s) & (pos < s + MASK_LEN)
    out_ref[0] = jnp.where(m, mt_ref[0][None, :], x_ref[0])


def _patch_index(b, e, start_ref):
    return (b, jnp.where(e == 0, start_ref[b] >> 3, (start_ref[b] + MASK_LEN) >> 3), 0)


def _mask_body(start_ref, mask_ref):
    pos = lax.broadcasted_iota(jnp.int32, (1, T), 1)
    for b in range(B):
        s = start_ref[b]
        mask_ref[b : b + 1, :] = (pos >= s) & (pos < s + MASK_LEN)


def kernel(x, start_idx, mask_token):
    start_idx = start_idx.astype(jnp.int32)
    start_pad = jnp.zeros((16,), jnp.int32).at[:B].set(start_idx)
    mt64 = jnp.broadcast_to(mask_token, (MT_SRC, D))

    xm = _sc_cutout(x, start_pad, mt64)

    grid_spec = pltpu.PrefetchScalarGridSpec(
        num_scalar_prefetch=1,
        grid=(B, 2),
        in_specs=[
            pl.BlockSpec(memory_space=pl.ANY),
            pl.BlockSpec((1, 8, D), _patch_index),
            pl.BlockSpec((1, D), lambda b, e, s: (0, 0)),
        ],
        out_specs=[pl.BlockSpec((1, 8, D), _patch_index)],
    )
    x_masked = pl.pallas_call(
        _patch_body,
        grid_spec=grid_spec,
        out_shape=[jax.ShapeDtypeStruct((B, T, D), jnp.float32)],
        input_output_aliases={1: 0},
    )(start_idx, xm, x, mask_token.reshape(1, D))[0]

    mask = pl.pallas_call(
        _mask_body,
        in_specs=[pl.BlockSpec(memory_space=pltpu.SMEM)],
        out_shape=jax.ShapeDtypeStruct((B, T), jnp.bool_),
    )(start_idx)
    return (x_masked, mask)

# --- scband reference (transcript-rebuilt; emitter-appended) ---
"""Pipeline reference for scband-cutout-token-masking-730144440997 (READ-ONLY COPY).

The authoritative reference and input builder live on the scoring server;
editing this copy changes nothing except your own understanding.
"""

import jax, jax.numpy as jnp
import numpy as np

B, T, D = 4, 8192, 1024
MASK_PCT = 0.6
MASK_LEN = int(MASK_PCT * T)  # 4915

def setup_inputs(seed: int = 0) -> dict:
    key = jax.random.key(seed)
    k1, k2, k3 = jax.random.split(key, 3)
    x = jax.random.normal(k1, (B, T, D), dtype=jnp.float32)
    # torch module draws start indices via np.random.randint(0, T - MASK_LEN) per batch row;
    # we materialize them deterministically as an int input.
    start_idx = jax.random.randint(k2, (B,), 0, T - MASK_LEN)
    # learned parameter: mask_token = nn.Parameter(torch.randn(embed_size))
    mask_token = jax.random.normal(k3, (D,), dtype=jnp.float32)
    return {"x": x, "start_idx": start_idx, "mask_token": mask_token}

def reference(x, start_idx, mask_token):
    T_ = x.shape[1]
    pos = jnp.arange(T_)
    # contiguous cutout mask per batch row: mask[b, t] = start <= t < start + MASK_LEN
    mask = (pos[None, :] >= start_idx[:, None]) & (pos[None, :] < start_idx[:, None] + MASK_LEN)
    # x_masked = x.detach().clone(); x_masked[mask] = mask_token
    x_masked = jax.lax.stop_gradient(x)
    x_masked = jnp.where(mask[:, :, None], mask_token[None, None, :], x_masked)
    return (x_masked, mask)

if __name__ == "__main__":
    import jax
    _d = setup_inputs()
    print(jax.jit(kernel)(*tuple(_d.values())))

</pallas_src>

<mosaic_0001>
#map = affine_map<(d0, d1) -> (0, 0, 0)>
#map1 = affine_map<(d0, d1) -> (0)>
#map2 = affine_map<(d0, d1) -> (0, 0)>
module attributes {stable_mosaic.version = 14 : i64} {
  func.func @_sc_cutout(%arg0: i32, %arg1: i32, %arg2: memref<4x8192x1024xf32, #tpu.memory_space<hbm>>, %arg3: memref<16xi32, #tpu.memory_space<hbm>>, %arg4: memref<64x1024xf32, #tpu.memory_space<hbm>>, %arg5: memref<4x8192x1024xf32, #tpu.memory_space<hbm>>, %arg6: memref<16xi32, #tpu.memory_space<vmem>>, %arg7: memref<1920x1024xf32, #tpu.memory_space<vmem_shared>>, %arg8: memref<!tpu.dma_semaphore, #tpu.memory_space<semaphore_mem>>, %arg9: memref<!tpu.dma_semaphore, #tpu.memory_space<semaphore_mem>>) attributes {dimension_semantics = [#tpu.dimension_semantics<core_parallel>, #tpu.dimension_semantics<subcore_parallel>], iteration_bounds = array<i64: 2, 16>, scalar_prefetch = 0 : i64, scratch_operands = 4 : i64, tpu.core_type = #tpu.core_type<sc_vector_subcore>, window_params = [{transform_indices = #map}, {transform_indices = #map1}, {transform_indices = #map2}, {transform_indices = #map}]} {
    %mul3A = arith.constant 2 : i32
    %mul3A_0 = arith.muli %mul3A, %arg0 : i32
    %jit3A = arith.constant 8 : i32
    %div3A = arith.divsi %arg1, %jit3A : i32
    %sign3A = arith.constant 0 : i32
    %sign3A_1 = arith.cmpi sgt, %arg1, %sign3A : i32
    %sign3A_2 = arith.extui %sign3A_1 : i1 to i32
    %sign3A_3 = arith.constant 0 : i32
    %sign3A_4 = arith.cmpi slt, %arg1, %sign3A_3 : i32
    %sign3A_5 = arith.extui %sign3A_4 : i1 to i32
    %sign3A_6 = arith.subi %sign3A_2, %sign3A_5 : i32
    %sign3A_7 = arith.constant 0 : i32
    %sign3A_8 = arith.cmpi sgt, %jit3A, %sign3A_7 : i32
    %sign3A_9 = arith.extui %sign3A_8 : i1 to i32
    %sign3A_10 = arith.constant 0 : i32
    %sign3A_11 = arith.cmpi slt, %jit3A, %sign3A_10 : i32
    %sign3A_12 = arith.extui %sign3A_11 : i1 to i32
    %sign3A_13 = arith.subi %sign3A_9, %sign3A_12 : i32
    %ne3A = arith.cmpi ne, %sign3A_6, %sign3A_13 : i32
    %rem3A = arith.remsi %arg1, %jit3A : i32
    %ne3A_14 = arith.constant 0 : i32
    %ne3A_15 = arith.cmpi ne, %rem3A, %ne3A_14 : i32
    %and3A = arith.andi %ne3A, %ne3A_15 : i1
    %sub3A = arith.constant 1 : i32
    %sub3A_16 = arith.subi %div3A, %sub3A : i32
    %select_n3A = arith.select %and3A, %sub3A_16, %div3A : i32
    %add3A = arith.addi %mul3A_0, %select_n3A : i32
    %jit3A_17 = arith.constant 8 : i32
    %eq3A = arith.constant 0 : i32
    %eq3A_18 = arith.cmpi eq, %jit3A_17, %eq3A : i32
    %jit3A_19 = arith.constant 1 : i32
    %select_n3A_20 = arith.select %eq3A_18, %jit3A_19, %jit3A_17 : i32
    %rem3A_21 = arith.remsi %arg1, %select_n3A_20 : i32
    %ne3A_22 = arith.constant 0 : i32
    %ne3A_23 = arith.cmpi ne, %rem3A_21, %ne3A_22 : i32
    %lt3A = arith.constant 0 : i32
    %lt3A_24 = arith.cmpi slt, %rem3A_21, %lt3A : i32
    %lt3A_25 = arith.constant 0 : i32
    %lt3A_26 = arith.cmpi slt, %select_n3A_20, %lt3A_25 : i32
    %ne3A_27 = arith.xori %lt3A_24, %lt3A_26 : i1
    %and3A_28 = arith.andi %ne3A_27, %ne3A_23 : i1
    %add3A_29 = arith.addi %rem3A_21, %select_n3A_20 : i32
    %select_n3A_30 = arith.select %and3A_28, %add3A_29, %rem3A_21 : i32
    %add3A_31 = arith.constant 0 : i32
    %add3A_32 = arith.addi %add3A_31, %arg1 : i32
    %add3A_33 = arith.constant 16 : i32
    %add3A_34 = arith.addi %add3A_33, %arg1 : i32
    %add3A_35 = arith.constant 16 : i32
    %add3A_36 = arith.addi %add3A_35, %arg1 : i32
    %lt3A_37 = arith.constant 30 : i32
    %lt3A_38 = arith.cmpi slt, %add3A_36, %lt3A_37 : i32
    %mul3A_39 = arith.constant 64 : i32
    %mul3A_40 = arith.muli %add3A_32, %mul3A_39 : i32
    %dma_start3A = arith.constant 0 : i32
    %dma_start3A_41 = tpu.memref_slice %arg7[%mul3A_40, %dma_start3A] : memref<1920x1024xf32, #tpu.memory_space<vmem_shared>> -> memref<64x1024xf32, #tpu.memory_space<vmem_shared>>
    tpu.enqueue_dma source(%arg4 : memref<64x1024xf32, #tpu.memory_space<hbm>>) target(%dma_start3A_41 : memref<64x1024xf32, #tpu.memory_space<vmem_shared>>) target_semaphore(%arg8 : memref<!tpu.dma_semaphore, #tpu.memory_space<semaphore_mem>>)
    %convert_element_type3A = arith.extui %lt3A_38 : i1 to i32
    %cond3A = arith.constant 0 : i32
    %cond3A_42 = arith.cmpi ne, %convert_element_type3A, %cond3A : i32
    scf.if %cond3A_42 {
      %mul3A_101 = arith.constant 64 : i32
      %mul3A_102 = arith.muli %add3A_34, %mul3A_101 : i32
      %dma_start3A_103 = arith.constant 0 : i32
      %dma_start3A_104 = tpu.memref_slice %arg7[%mul3A_102, %dma_start3A_103] : memref<1920x1024xf32, #tpu.memory_space<vmem_shared>> -> memref<64x1024xf32, #tpu.memory_space<vmem_shared>>
      tpu.enqueue_dma source(%arg4 : memref<64x1024xf32, #tpu.memory_space<hbm>>) target(%dma_start3A_104 : memref<64x1024xf32, #tpu.memory_space<vmem_shared>>) target_semaphore(%arg8 : memref<!tpu.dma_semaphore, #tpu.memory_space<semaphore_mem>>)
    } else {
    }
    "tpu.region"() ({
      %run_scoped3A = tpu.sem_alloc : memref<!tpu.dma_semaphore, #tpu.memory_space<semaphore_mem>>
      tpu.enqueue_dma source(%arg3 : memref<16xi32, #tpu.memory_space<hbm>>) target(%arg6 : memref<16xi32, #tpu.memory_space<vmem>>) target_semaphore(%run_scoped3A : memref<!tpu.dma_semaphore, #tpu.memory_space<semaphore_mem>>)
      tpu.wait_dma2 semaphore(%run_scoped3A : memref<!tpu.dma_semaphore, #tpu.memory_space<semaphore_mem>>) src(%arg3 : memref<16xi32, #tpu.memory_space<hbm>>) dst(%arg6 : memref<16xi32, #tpu.memory_space<vmem>>)
      tpu.yield
    }) : () -> ()
    %get3A = arith.constant 0 : index
    %get3A_43 = tpu.vector_load %arg6[%get3A] {strides = array<i32>} : memref<16xi32, #tpu.memory_space<vmem>>, vector<16xi32>,
    %get3A_44 = vector.shape_cast %get3A_43 : vector<16xi32> to vector<16xi32>
    %slice3A = vector.extract_strided_slice %get3A_44 {offsets = [0], sizes = [1], strides = [1]} : vector<16xi32> to vector<1xi32>
    %squeeze3A = vector.extract %slice3A[0] : i32 from vector<1xi32>
    %eq3A_45 = arith.constant 1 : i32
    %eq3A_46 = arith.cmpi eq, %add3A, %eq3A_45 : i32
    %slice3A_47 = vector.extract_strided_slice %get3A_44 {offsets = [1], sizes = [1], strides = [1]} : vector<16xi32> to vector<1xi32>
    %squeeze3A_48 = vector.extract %slice3A_47[0] : i32 from vector<1xi32>
    %select_n3A_49 = arith.select %eq3A_46, %squeeze3A_48, %squeeze3A : i32
    %eq3A_50 = arith.constant 2 : i32
    %eq3A_51 = arith.cmpi eq, %add3A, %eq3A_50 : i32
    %slice3A_52 = vector.extract_strided_slice %get3A_44 {offsets = [2], sizes = [1], strides = [1]} : vector<16xi32> to vector<1xi32>
    %squeeze3A_53 = vector.extract %slice3A_52[0] : i32 from vector<1xi32>
    %select_n3A_54 = arith.select %eq3A_51, %squeeze3A_53, %select_n3A_49 : i32
    %eq3A_55 = arith.constant 3 : i32
    %eq3A_56 = arith.cmpi eq, %add3A, %eq3A_55 : i32
    %slice3A_57 = vector.extract_strided_slice %get3A_44 {offsets = [3], sizes = [1], strides = [1]} : vector<16xi32> to vector<1xi32>
    %squeeze3A_58 = vector.extract %slice3A_57[0] : i32 from vector<1xi32>
    %select_n3A_59 = arith.select %eq3A_56, %squeeze3A_58, %select_n3A_54 : i32
    %mul3A_60 = arith.constant 416 : i32
    %mul3A_61 = arith.muli %select_n3A_30, %mul3A_60 : i32
    %mul3A_62 = arith.constant 416 : i32
    %mul3A_63 = arith.muli %select_n3A_30, %mul3A_62 : i32
    %add3A_64 = arith.constant 4864 : i32
    %add3A_65 = arith.addi %add3A_64, %mul3A_63 : i32
    %lt3A_66 = arith.cmpi slt, %mul3A_61, %select_n3A_59 : i32
    %add3A_67 = arith.constant 416 : i32
    %add3A_68 = arith.addi %add3A_65, %add3A_67 : i32
    %add3A_69 = arith.constant 4915 : i32
    %add3A_70 = arith.addi %select_n3A_59, %add3A_69 : i32
    %gt3A = arith.cmpi sgt, %add3A_68, %add3A_70 : i32
    %mul3A_71 = arith.constant 64 : i32
    %mul3A_72 = arith.muli %add3A_32, %mul3A_71 : i32
    %dma_wait3A = arith.constant 0 : i32
    %dma_wait3A_73 = tpu.memref_slice %arg7[%mul3A_72, %dma_wait3A] : memref<1920x1024xf32, #tpu.memory_space<vmem_shared>> -> memref<64x1024xf32, #tpu.memory_space<vmem_shared>>
    tpu.wait_dma2 semaphore(%arg8 : memref<!tpu.dma_semaphore, #tpu.memory_space<semaphore_mem>>) src(%arg4 : memref<64x1024xf32, #tpu.memory_space<hbm>>) dst(%dma_wait3A_73 : memref<64x1024xf32, #tpu.memory_space<vmem_shared>>)
    %convert_element_type3A_74 = arith.extui %lt3A_38 : i1 to i32
    %cond3A_75 = arith.constant 0 : i32
    %cond3A_76 = arith.cmpi ne, %convert_element_type3A_74, %cond3A_75 : i32
    scf.if %cond3A_76 {
      %mul3A_101 = arith.constant 64 : i32
      %mul3A_102 = arith.muli %add3A_34, %mul3A_101 : i32
      %dma_wait3A_103 = arith.constant 0 : i32
      %dma_wait3A_104 = tpu.memref_slice %arg7[%mul3A_102, %dma_wait3A_103] : memref<1920x1024xf32, #tpu.memory_space<vmem_shared>> -> memref<64x1024xf32, #tpu.memory_space<vmem_shared>>
      tpu.wait_dma2 semaphore(%arg8 : memref<!tpu.dma_semaphore, #tpu.memory_space<semaphore_mem>>) src(%arg4 : memref<64x1024xf32, #tpu.memory_space<hbm>>) dst(%dma_wait3A_104 : memref<64x1024xf32, #tpu.memory_space<vmem_shared>>)
    } else {
    }
    %barrier3A = arith.constant 0 : index
    tpu.barrier barrier_id(%barrier3A)
    %and3A_77 = arith.constant -8 : i32
    %and3A_78 = arith.andi %select_n3A_59, %and3A_77 : i32
    %add3A_79 = arith.constant 8 : i32
    %add3A_80 = arith.addi %and3A_78, %add3A_79 : i32
    %multiple_of3A = tpu.assume_multiple %add3A_80, 8 : i32
    %lt3A_81 = arith.constant 7 : i32
    %lt3A_82 = arith.cmpi slt, %select_n3A_30, %lt3A_81 : i32
    %convert_element_type3A_83 = arith.extui %lt3A_82 : i1 to i32
    %cond3A_84 = arith.constant 0 : i32
    %cond3A_85 = arith.cmpi ne, %convert_element_type3A_83, %cond3A_84 : i32
    scf.if %cond3A_85 {
      %mul3A_101 = arith.constant 8 : i32
      %mul3A_102 = arith.muli %select_n3A_30, %mul3A_101 : i32
      %add3A_103 = arith.constant 0 : i32
      %add3A_104 = arith.addi %mul3A_102, %add3A_103 : i32
      %jit3A_105 = arith.constant 24 : i32
      %eq3A_106 = arith.constant 0 : i32
      %eq3A_107 = arith.cmpi eq, %jit3A_105, %eq3A_106 : i32
      %jit3A_108 = arith.constant 1 : i32
      %select_n3A_109 = arith.select %eq3A_107, %jit3A_108, %jit3A_105 : i32
      %rem3A_110 = arith.remsi %add3A_104, %select_n3A_109 : i32
      %ne3A_111 = arith.constant 0 : i32
      %ne3A_112 = arith.cmpi ne, %rem3A_110, %ne3A_111 : i32
      %lt3A_113 = arith.constant 0 : i32
      %lt3A_114 = arith.cmpi slt, %rem3A_110, %lt3A_113 : i32
      %lt3A_115 = arith.constant 0 : i32
      %lt3A_116 = arith.cmpi slt, %select_n3A_109, %lt3A_115 : i32
      %ne3A_117 = arith.xori %lt3A_114, %lt3A_116 : i1
      %and3A_118 = arith.andi %ne3A_117, %ne3A_112 : i1
      %add3A_119 = arith.addi %rem3A_110, %select_n3A_109 : i32
      %select_n3A_120 = arith.select %and3A_118, %add3A_119, %rem3A_110 : i32
      %mul3A_121 = arith.constant 616 : i32
      %mul3A_122 = arith.muli %select_n3A_30, %mul3A_121 : i32
      %add3A_123 = arith.addi %multiple_of3A, %mul3A_122 : i32
      %add3A_124 = arith.constant 0 : i32
      %add3A_125 = arith.addi %add3A_123, %add3A_124 : i32
      %multiple_of3A_126 = tpu.assume_multiple %add3A_125, 8 : i32
      %mul3A_127 = arith.constant 80 : i32
      %mul3A_128 = arith.muli %select_n3A_120, %mul3A_127 : i32
      %dma_start3A_129 = arith.constant 0 : i32
      %dma_start3A_130 = tpu.memref_slice %arg5[%add3A, %multiple_of3A_126, %dma_start3A_129] : memref<4x8192x1024xf32, #tpu.memory_space<hbm>> -> memref<1x80x1024xf32, #tpu.memory_space<hbm>>
      %dma_start3A_131 = tpu.memref_squeeze %dma_start3A_130 : memref<1x80x1024xf32, #tpu.memory_space<hbm>> -> memref<80x1024xf32, #tpu.memory_space<hbm>>
      %dma_start3A_132 = arith.constant 0 : i32
      %dma_start3A_133 = tpu.memref_slice %arg7[%mul3A_128, %dma_start3A_132] : memref<1920x1024xf32, #tpu.memory_space<vmem_shared>> -> memref<80x1024xf32, #tpu.memory_space<vmem_shared>>
      tpu.enqueue_dma source(%dma_start3A_133 : memref<80x1024xf32, #tpu.memory_space<vmem_shared>>) target(%dma_start3A_131 : memref<80x1024xf32, #tpu.memory_space<hbm>>) target_semaphore(%arg9 : memref<!tpu.dma_semaphore, #tpu.memory_space<semaphore_mem>>)
      %mul3A_134 = arith.constant 8 : i32
      %mul3A_135 = arith.muli %select_n3A_30, %mul3A_134 : i32
      %add3A_136 = arith.constant 1 : i32
      %add3A_137 = arith.addi %mul3A_135, %add3A_136 : i32
      %jit3A_138 = arith.constant 24 : i32
      %eq3A_139 = arith.constant 0 : i32
      %eq3A_140 = arith.cmpi eq, %jit3A_138, %eq3A_139 : i32
      %jit3A_141 = arith.constant 1 : i32
      %select_n3A_142 = arith.select %eq3A_140, %jit3A_141, %jit3A_138 : i32
      %rem3A_143 = arith.remsi %add3A_137, %select_n3A_142 : i32
      %ne3A_144 = arith.constant 0 : i32
      %ne3A_145 = arith.cmpi ne, %rem3A_143, %ne3A_144 : i32
      %lt3A_146 = arith.constant 0 : i32
      %lt3A_147 = arith.cmpi slt, %rem3A_143, %lt3A_146 : i32
      %lt3A_148 = arith.constant 0 : i32
      %lt3A_149 = arith.cmpi slt, %select_n3A_142, %lt3A_148 : i32
      %ne3A_150 = arith.xori %lt3A_147, %lt3A_149 : i1
      %and3A_151 = arith.andi %ne3A_150, %ne3A_145 : i1
      %add3A_152 = arith.addi %rem3A_143, %select_n3A_142 : i32
      %select_n3A_153 = arith.select %and3A_151, %add3A_152, %rem3A_143 : i32
      %mul3A_154 = arith.constant 616 : i32
      %mul3A_155 = arith.muli %select_n3A_30, %mul3A_154 : i32
      %add3A_156 = arith.addi %multiple_of3A, %mul3A_155 : i32
      %add3A_157 = arith.constant 80 : i32
      %add3A_158 = arith.addi %add3A_156, %add3A_157 : i32
      %multiple_of3A_159 = tpu.assume_multiple %add3A_158, 8 : i32
      %mul3A_160 = arith.constant 80 : i32
      %mul3A_161 = arith.muli %select_n3A_153, %mul3A_160 : i32
      %dma_start3A_162 = arith.constant 0 : i32
      %dma_start3A_163 = tpu.memref_slice %arg5[%add3A, %multiple_of3A_159, %dma_start3A_162] : memref<4x8192x1024xf32, #tpu.memory_space<hbm>> -> memref<1x80x1024xf32, #tpu.memory_space<hbm>>
      %dma_start3A_164 = tpu.memref_squeeze %dma_start3A_163 : memref<1x80x1024xf32, #tpu.memory_space<hbm>> -> memref<80x1024xf32, #tpu.memory_space<hbm>>
      %dma_start3A_165 = arith.constant 0 : i32
      %dma_start3A_166 = tpu.memref_slice %arg7[%mul3A_161, %dma_start3A_165] : memref<1920x1024xf32, #tpu.memory_space<vmem_shared>> -> memref<80x1024xf32, #tpu.memory_space<vmem_shared>>
      tpu.enqueue_dma source(%dma_start3A_166 : memref<80x1024xf32, #tpu.memory_space<vmem_shared>>) target(%dma_start3A_164 : memref<80x1024xf32, #tpu.memory_space<hbm>>) target_semaphore(%arg9 : memref<!tpu.dma_semaphore, #tpu.memory_space<semaphore_mem>>)
      %mul3A_167 = arith.constant 8 : i32
      %mul3A_168 = arith.muli %select_n3A_30, %mul3A_167 : i32
      %add3A_169 = arith.constant 2 : i32
      %add3A_170 = arith.addi %mul3A_168, %add3A_169 : i32
      %jit3A_171 = arith.constant 24 : i32
      %eq3A_172 = arith.constant 0 : i32
      %eq3A_173 = arith.cmpi eq, %jit3A_171, %eq3A_172 : i32
      %jit3A_174 = arith.constant 1 : i32
      %select_n3A_175 = arith.select %eq3A_173, %jit3A_174, %jit3A_171 : i32
      %rem3A_176 = arith.remsi %add3A_170, %select_n3A_175 : i32
      %ne3A_177 = arith.constant 0 : i32
      %ne3A_178 = arith.cmpi ne, %rem3A_176, %ne3A_177 : i32
      %lt3A_179 = arith.constant 0 : i32
      %lt3A_180 = arith.cmpi slt, %rem3A_176, %lt3A_179 : i32
      %lt3A_181 = arith.constant 0 : i32
      %lt3A_182 = arith.cmpi slt, %select_n3A_175, %lt3A_181 : i32
      %ne3A_183 = arith.xori %lt3A_180, %lt3A_182 : i1
      %and3A_184 = arith.andi %ne3A_183, %ne3A_178 : i1
      %add3A_185 = arith.addi %rem3A_176, %select_n3A_175 : i32
      %select_n3A_186 = arith.select %and3A_184, %add3A_185, %rem3A_176 : i32
      %mul3A_187 = arith.constant 616 : i32
      %mul3A_188 = arith.muli %select_n3A_30, %mul3A_187 : i32
      %add3A_189 = arith.addi %multiple_of3A, %mul3A_188 : i32
      %add3A_190 = arith.constant 160 : i32
      %add3A_191 = arith.addi %add3A_189, %add3A_190 : i32
      %multiple_of3A_192 = tpu.assume_multiple %add3A_191, 8 : i32
      %mul3A_193 = arith.constant 80 : i32
      %mul3A_194 = arith.muli %select_n3A_186, %mul3A_193 : i32
      %dma_start3A_195 = arith.constant 0 : i32
      %dma_start3A_196 = tpu.memref_slice %arg5[%add3A, %multiple_of3A_192, %dma_start3A_195] : memref<4x8192x1024xf32, #tpu.memory_space<hbm>> -> memref<1x80x1024xf32, #tpu.memory_space<hbm>>
      %dma_start3A_197 = tpu.memref_squeeze %dma_start3A_196 : memref<1x80x1024xf32, #tpu.memory_space<hbm>> -> memref<80x1024xf32, #tpu.memory_space<hbm>>
      %dma_start3A_198 = arith.constant 0 : i32
      %dma_start3A_199 = tpu.memref_slice %arg7[%mul3A_194, %dma_start3A_198] : memref<1920x1024xf32, #tpu.memory_space<vmem_shared>> -> memref<80x1024xf32, #tpu.memory_space<vmem_shared>>
      tpu.enqueue_dma source(%dma_start3A_199 : memref<80x1024xf32, #tpu.memory_space<vmem_shared>>) target(%dma_start3A_197 : memref<80x1024xf32, #tpu.memory_space<hbm>>) target_semaphore(%arg9 : memref<!tpu.dma_semaphore, #tpu.memory_space<semaphore_mem>>)
      %mul3A_200 = arith.constant 8 : i32
      %mul3A_201 = arith.muli %select_n3A_30, %mul3A_200 : i32
      %add3A_202 = arith.constant 3 : i32
      %add3A_203 = arith.addi %mul3A_201, %add3A_202 : i32
      %jit3A_204 = arith.constant 24 : i32
      %eq3A_205 = arith.constant 0 : i32
      %eq3A_206 = arith.cmpi eq, %jit3A_204, %eq3A_205 : i32
      %jit3A_207 = arith.constant 1 : i32
      %select_n3A_208 = arith.select %eq3A_206, %jit3A_207, %jit3A_204 : i32
      %rem3A_209 = arith.remsi %add3A_203, %select_n3A_208 : i32
      %ne3A_210 = arith.constant 0 : i32
      %ne3A_211 = arith.cmpi ne, %rem3A_209, %ne3A_210 : i32
      %lt3A_212 = arith.constant 0 : i32
      %lt3A_213 = arith.cmpi slt, %rem3A_209, %lt3A_212 : i32
      %lt3A_214 = arith.constant 0 : i32
      %lt3A_215 = arith.cmpi slt, %select_n3A_208, %lt3A_214 : i32
      %ne3A_216 = arith.xori %lt3A_213, %lt3A_215 : i1
      %and3A_217 = arith.andi %ne3A_216, %ne3A_211 : i1
      %add3A_218 = arith.addi %rem3A_209, %select_n3A_208 : i32
      %select_n3A_219 = arith.select %and3A_217, %add3A_218, %rem3A_209 : i32
      %mul3A_220 = arith.constant 616 : i32
      %mul3A_221 = arith.muli %select_n3A_30, %mul3A_220 : i32
      %add3A_222 = arith.addi %multiple_of3A, %mul3A_221 : i32
      %add3A_223 = arith.constant 240 : i32
      %add3A_224 = arith.addi %add3A_222, %add3A_223 : i32
      %multiple_of3A_225 = tpu.assume_multiple %add3A_224, 8 : i32
      %mul3A_226 = arith.constant 80 : i32
      %mul3A_227 = arith.muli %select_n3A_219, %mul3A_226 : i32
      %dma_start3A_228 = arith.constant 0 : i32
      %dma_start3A_229 = tpu.memref_slice %arg5[%add3A, %multiple_of3A_225, %dma_start3A_228] : memref<4x8192x1024xf32, #tpu.memory_space<hbm>> -> memref<1x80x1024xf32, #tpu.memory_space<hbm>>
      %dma_start3A_230 = tpu.memref_squeeze %dma_start3A_229 : memref<1x80x1024xf32, #tpu.memory_space<hbm>> -> memref<80x1024xf32, #tpu.memory_space<hbm>>
      %dma_start3A_231 = arith.constant 0 : i32
      %dma_start3A_232 = tpu.memref_slice %arg7[%mul3A_227, %dma_start3A_231] : memref<1920x1024xf32, #tpu.memory_space<vmem_shared>> -> memref<80x1024xf32, #tpu.memory_space<vmem_shared>>
      tpu.enqueue_dma source(%dma_start3A_232 : memref<80x1024xf32, #tpu.memory_space<vmem_shared>>) target(%dma_start3A_230 : memref<80x1024xf32, #tpu.memory_space<hbm>>) target_semaphore(%arg9 : memref<!tpu.dma_semaphore, #tpu.memory_space<semaphore_mem>>)
      %mul3A_233 = arith.constant 8 : i32
      %mul3A_234 = arith.muli %select_n3A_30, %mul3A_233 : i32
      %add3A_235 = arith.constant 4 : i32
      %add3A_236 = arith.addi %mul3A_234, %add3A_235 : i32
      %jit3A_237 = arith.constant 24 : i32
      %eq3A_238 = arith.constant 0 : i32
      %eq3A_239 = arith.cmpi eq, %jit3A_237, %eq3A_238 : i32
      %jit3A_240 = arith.constant 1 : i32
      %select_n3A_241 = arith.select %eq3A_239, %jit3A_240, %jit3A_237 : i32
      %rem3A_242 = arith.remsi %add3A_236, %select_n3A_241 : i32
      %ne3A_243 = arith.constant 0 : i32
      %ne3A_244 = arith.cmpi ne, %rem3A_242, %ne3A_243 : i32
      %lt3A_245 = arith.constant 0 : i32
      %lt3A_246 = arith.cmpi slt, %rem3A_242, %lt3A_245 : i32
      %lt3A_247 = arith.constant 0 : i32
      %lt3A_248 = arith.cmpi slt, %select_n3A_241, %lt3A_247 : i32
      %ne3A_249 = arith.xori %lt3A_246, %lt3A_248 : i1
      %and3A_250 = arith.andi %ne3A_249, %ne3A_244 : i1
      %add3A_251 = arith.addi %rem3A_242, %select_n3A_241 : i32
      %select_n3A_252 = arith.select %and3A_250, %add3A_251, %rem3A_242 : i32
      %mul3A_253 = arith.constant 616 : i32
      %mul3A_254 = arith.muli %select_n3A_30, %mul3A_253 : i32
      %add3A_255 = arith.addi %multiple_of3A, %mul3A_254 : i32
      %add3A_256 = arith.constant 320 : i32
      %add3A_257 = arith.addi %add3A_255, %add3A_256 : i32
      %multiple_of3A_258 = tpu.assume_multiple %add3A_257, 8 : i32
      %mul3A_259 = arith.constant 80 : i32
      %mul3A_260 = arith.muli %select_n3A_252, %mul3A_259 : i32
      %dma_start3A_261 = arith.constant 0 : i32
      %dma_start3A_262 = tpu.memref_slice %arg5[%add3A, %multiple_of3A_258, %dma_start3A_261] : memref<4x8192x1024xf32, #tpu.memory_space<hbm>> -> memref<1x80x1024xf32, #tpu.memory_space<hbm>>
      %dma_start3A_263 = tpu.memref_squeeze %dma_start3A_262 : memref<1x80x1024xf32, #tpu.memory_space<hbm>> -> memref<80x1024xf32, #tpu.memory_space<hbm>>
      %dma_start3A_264 = arith.constant 0 : i32
      %dma_start3A_265 = tpu.memref_slice %arg7[%mul3A_260, %dma_start3A_264] : memref<1920x1024xf32, #tpu.memory_space<vmem_shared>> -> memref<80x1024xf32, #tpu.memory_space<vmem_shared>>
      tpu.enqueue_dma source(%dma_start3A_265 : memref<80x1024xf32, #tpu.memory_space<vmem_shared>>) target(%dma_start3A_263 : memref<80x1024xf32, #tpu.memory_space<hbm>>) target_semaphore(%arg9 : memref<!tpu.dma_semaphore, #tpu.memory_space<semaphore_mem>>)
      %mul3A_266 = arith.constant 8 : i32
      %mul3A_267 = arith.muli %select_n3A_30, %mul3A_266 : i32
      %add3A_268 = arith.constant 5 : i32
      %add3A_269 = arith.addi %mul3A_267, %add3A_268 : i32
      %jit3A_270 = arith.constant 24 : i32
      %eq3A_271 = arith.constant 0 : i32
      %eq3A_272 = arith.cmpi eq, %jit3A_270, %eq3A_271 : i32
      %jit3A_273 = arith.constant 1 : i32
      %select_n3A_274 = arith.select %eq3A_272, %jit3A_273, %jit3A_270 : i32
      %rem3A_275 = arith.remsi %add3A_269, %select_n3A_274 : i32
      %ne3A_276 = arith.constant 0 : i32
      %ne3A_277 = arith.cmpi ne, %rem3A_275, %ne3A_276 : i32
      %lt3A_278 = arith.constant 0 : i32
      %lt3A_279 = arith.cmpi slt, %rem3A_275, %lt3A_278 : i32
      %lt3A_280 = arith.constant 0 : i32
      %lt3A_281 = arith.cmpi slt, %select_n3A_274, %lt3A_280 : i32
      %ne3A_282 = arith.xori %lt3A_279, %lt3A_281 : i1
      %and3A_283 = arith.andi %ne3A_282, %ne3A_277 : i1
      %add3A_284 = arith.addi %rem3A_275, %select_n3A_274 : i32
      %select_n3A_285 = arith.select %and3A_283, %add3A_284, %rem3A_275 : i32
      %mul3A_286 = arith.constant 616 : i32
      %mul3A_287 = arith.muli %select_n3A_30, %mul3A_286 : i32
      %add3A_288 = arith.addi %multiple_of3A, %mul3A_287 : i32
      %add3A_289 = arith.constant 400 : i32
      %add3A_290 = arith.addi %add3A_288, %add3A_289 : i32
      %multiple_of3A_291 = tpu.assume_multiple %add3A_290, 8 : i32
      %mul3A_292 = arith.constant 80 : i32
      %mul3A_293 = arith.muli %select_n3A_285, %mul3A_292 : i32
      %dma_start3A_294 = arith.constant 0 : i32
      %dma_start3A_295 = tpu.memref_slice %arg5[%add3A, %multiple_of3A_291, %dma_start3A_294] : memref<4x8192x1024xf32, #tpu.memory_space<hbm>> -> memref<1x80x1024xf32, #tpu.memory_space<hbm>>
      %dma_start3A_296 = tpu.memref_squeeze %dma_start3A_295 : memref<1x80x1024xf32, #tpu.memory_space<hbm>> -> memref<80x1024xf32, #tpu.memory_space<hbm>>
      %dma_start3A_297 = arith.constant 0 : i32
      %dma_start3A_298 = tpu.memref_slice %arg7[%mul3A_293, %dma_start3A_297] : memref<1920x1024xf32, #tpu.memory_space<vmem_shared>> -> memref<80x1024xf32, #tpu.memory_space<vmem_shared>>
      tpu.enqueue_dma source(%dma_start3A_298 : memref<80x1024xf32, #tpu.memory_space<vmem_shared>>) target(%dma_start3A_296 : memref<80x1024xf32, #tpu.memory_space<hbm>>) target_semaphore(%arg9 : memref<!tpu.dma_semaphore, #tpu.memory_space<semaphore_mem>>)
      %mul3A_299 = arith.constant 8 : i32
      %mul3A_300 = arith.muli %select_n3A_30, %mul3A_299 : i32
      %add3A_301 = arith.constant 6 : i32
      %add3A_302 = arith.addi %mul3A_300, %add3A_301 : i32
      %jit3A_303 = arith.constant 24 : i32
      %eq3A_304 = arith.constant 0 : i32
      %eq3A_305 = arith.cmpi eq, %jit3A_303, %eq3A_304 : i32
      %jit3A_306 = arith.constant 1 : i32
      %select_n3A_307 = arith.select %eq3A_305, %jit3A_306, %jit3A_303 : i32
      %rem3A_308 = arith.remsi %add3A_302, %select_n3A_307 : i32
      %ne3A_309 = arith.constant 0 : i32
      %ne3A_310 = arith.cmpi ne, %rem3A_308, %ne3A_309 : i32
      %lt3A_311 = arith.constant 0 : i32
      %lt3A_312 = arith.cmpi slt, %rem3A_308, %lt3A_311 : i32
      %lt3A_313 = arith.constant 0 : i32
      %lt3A_314 = arith.cmpi slt, %select_n3A_307, %lt3A_313 : i32
      %ne3A_315 = arith.xori %lt3A_312, %lt3A_314 : i1
      %and3A_316 = arith.andi %ne3A_315, %ne3A_310 : i1
      %add3A_317 = arith.addi %rem3A_308, %select_n3A_307 : i32
      %select_n3A_318 = arith.select %and3A_316, %add3A_317, %rem3A_308 : i32
      %mul3A_319 = arith.constant 616 : i32
      %mul3A_320 = arith.muli %select_n3A_30, %mul3A_319 : i32
      %add3A_321 = arith.addi %multiple_of3A, %mul3A_320 : i32
      %add3A_322 = arith.constant 480 : i32
      %add3A_323 = arith.addi %add3A_321, %add3A_322 : i32
      %multiple_of3A_324 = tpu.assume_multiple %add3A_323, 8 : i32
      %mul3A_325 = arith.constant 80 : i32
      %mul3A_326 = arith.muli %select_n3A_318, %mul3A_325 : i32
      %dma_start3A_327 = arith.constant 0 : i32
      %dma_start3A_328 = tpu.memref_slice %arg5[%add3A, %multiple_of3A_324, %dma_start3A_327] : memref<4x8192x1024xf32, #tpu.memory_space<hbm>> -> memref<1x80x1024xf32, #tpu.memory_space<hbm>>
      %dma_start3A_329 = tpu.memref_squeeze %dma_start3A_328 : memref<1x80x1024xf32, #tpu.memory_space<hbm>> -> memref<80x1024xf32, #tpu.memory_space<hbm>>
      %dma_start3A_330 = arith.constant 0 : i32
      %dma_start3A_331 = tpu.memref_slice %arg7[%mul3A_326, %dma_start3A_330] : memref<1920x1024xf32, #tpu.memory_space<vmem_shared>> -> memref<80x1024xf32, #tpu.memory_space<vmem_shared>>
      tpu.enqueue_dma source(%dma_start3A_331 : memref<80x1024xf32, #tpu.memory_space<vmem_shared>>) target(%dma_start3A_329 : memref<80x1024xf32, #tpu.memory_space<hbm>>) target_semaphore(%arg9 : memref<!tpu.dma_semaphore, #tpu.memory_space<semaphore_mem>>)
      %mul3A_332 = arith.constant 8 : i32
      %mul3A_333 = arith.muli %select_n3A_30, %mul3A_332 : i32
      %add3A_334 = arith.constant 7 : i32
      %add3A_335 = arith.addi %mul3A_333, %add3A_334 : i32
      %jit3A_336 = arith.constant 24 : i32
      %eq3A_337 = arith.constant 0 : i32
      %eq3A_338 = arith.cmpi eq, %jit3A_336, %eq3A_337 : i32
      %jit3A_339 = arith.constant 1 : i32
      %select_n3A_340 = arith.select %eq3A_338, %jit3A_339, %jit3A_336 : i32
      %rem3A_341 = arith.remsi %add3A_335, %select_n3A_340 : i32
      %ne3A_342 = arith.constant 0 : i32
      %ne3A_343 = arith.cmpi ne, %rem3A_341, %ne3A_342 : i32
      %lt3A_344 = arith.constant 0 : i32
      %lt3A_345 = arith.cmpi slt, %rem3A_341, %lt3A_344 : i32
      %lt3A_346 = arith.constant 0 : i32
      %lt3A_347 = arith.cmpi slt, %select_n3A_340, %lt3A_346 : i32
      %ne3A_348 = arith.xori %lt3A_345, %lt3A_347 : i1
      %and3A_349 = arith.andi %ne3A_348, %ne3A_343 : i1
      %add3A_350 = arith.addi %rem3A_341, %select_n3A_340 : i32
      %select_n3A_351 = arith.select %and3A_349, %add3A_350, %rem3A_341 : i32
      %mul3A_352 = arith.constant 616 : i32
      %mul3A_353 = arith.muli %select_n3A_30, %mul3A_352 : i32
      %add3A_354 = arith.addi %multiple_of3A, %mul3A_353 : i32
      %add3A_355 = arith.constant 560 : i32
      %add3A_356 = arith.addi %add3A_354, %add3A_355 : i32
      %multiple_of3A_357 = tpu.assume_multiple %add3A_356, 8 : i32
      %mul3A_358 = arith.constant 80 : i32
      %mul3A_359 = arith.muli %select_n3A_351, %mul3A_358 : i32
      %dma_start3A_360 = arith.constant 0 : i32
      %dma_start3A_361 = tpu.memref_slice %arg5[%add3A, %multiple_of3A_357, %dma_start3A_360] : memref<4x8192x1024xf32, #tpu.memory_space<hbm>> -> memref<1x56x1024xf32, #tpu.memory_space<hbm>>
      %dma_start3A_362 = tpu.memref_squeeze %dma_start3A_361 : memref<1x56x1024xf32, #tpu.memory_space<hbm>> -> memref<56x1024xf32, #tpu.memory_space<hbm>>
      %dma_start3A_363 = arith.constant 0 : i32
      %dma_start3A_364 = tpu.memref_slice %arg7[%mul3A_359, %dma_start3A_363] : memref<1920x1024xf32, #tpu.memory_space<vmem_shared>> -> memref<56x1024xf32, #tpu.memory_space<vmem_shared>>
      tpu.enqueue_dma source(%dma_start3A_364 : memref<56x1024xf32, #tpu.memory_space<vmem_shared>>) target(%dma_start3A_362 : memref<56x1024xf32, #tpu.memory_space<hbm>>) target_semaphore(%arg9 : memref<!tpu.dma_semaphore, #tpu.memory_space<semaphore_mem>>)
    } else {
    }
    %eq3A_86 = arith.constant 7 : i32
    %eq3A_87 = arith.cmpi eq, %select_n3A_30, %eq3A_86 : i32
    %convert_element_type3A_88 = arith.extui %eq3A_87 : i1 to i32
    %cond3A_89 = arith.constant 0 : i32
    %cond3A_90 = arith.cmpi ne, %convert_element_type3A_88, %cond3A_89 : i32
    scf.if %cond3A_90 {
      %mul3A_101 = arith.constant 8 : i32
      %mul3A_102 = arith.muli %select_n3A_30, %mul3A_101 : i32
      %add3A_103 = arith.constant 0 : i32
      %add3A_104 = arith.addi %mul3A_102, %add3A_103 : i32
      %jit3A_105 = arith.constant 24 : i32
      %eq3A_106 = arith.constant 0 : i32
      %eq3A_107 = arith.cmpi eq, %jit3A_105, %eq3A_106 : i32
      %jit3A_108 = arith.constant 1 : i32
      %select_n3A_109 = arith.select %eq3A_107, %jit3A_108, %jit3A_105 : i32
      %rem3A_110 = arith.remsi %add3A_104, %select_n3A_109 : i32
      %ne3A_111 = arith.constant 0 : i32
      %ne3A_112 = arith.cmpi ne, %rem3A_110, %ne3A_111 : i32
      %lt3A_113 = arith.constant 0 : i32
      %lt3A_114 = arith.cmpi slt, %rem3A_110, %lt3A_113 : i32
      %lt3A_115 = arith.constant 0 : i32
      %lt3A_116 = arith.cmpi slt, %select_n3A_109, %lt3A_115 : i32
      %ne3A_117 = arith.xori %lt3A_114, %lt3A_116 : i1
      %and3A_118 = arith.andi %ne3A_117, %ne3A_112 : i1
      %add3A_119 = arith.addi %rem3A_110, %select_n3A_109 : i32
      %select_n3A_120 = arith.select %and3A_118, %add3A_119, %rem3A_110 : i32
      %mul3A_121 = arith.constant 616 : i32
      %mul3A_122 = arith.muli %select_n3A_30, %mul3A_121 : i32
      %add3A_123 = arith.addi %multiple_of3A, %mul3A_122 : i32
      %add3A_124 = arith.constant 0 : i32
      %add3A_125 = arith.addi %add3A_123, %add3A_124 : i32
      %multiple_of3A_126 = tpu.assume_multiple %add3A_125, 8 : i32
      %mul3A_127 = arith.constant 80 : i32
      %mul3A_128 = arith.muli %select_n3A_120, %mul3A_127 : i32
      %dma_start3A_129 = arith.constant 0 : i32
      %dma_start3A_130 = tpu.memref_slice %arg5[%add3A, %multiple_of3A_126, %dma_start3A_129] : memref<4x8192x1024xf32, #tpu.memory_space<hbm>> -> memref<1x80x1024xf32, #tpu.memory_space<hbm>>
      %dma_start3A_131 = tpu.memref_squeeze %dma_start3A_130 : memref<1x80x1024xf32, #tpu.memory_space<hbm>> -> memref<80x1024xf32, #tpu.memory_space<hbm>>
      %dma_start3A_132 = arith.constant 0 : i32
      %dma_start3A_133 = tpu.memref_slice %arg7[%mul3A_128, %dma_start3A_132] : memref<1920x1024xf32, #tpu.memory_space<vmem_shared>> -> memref<80x1024xf32, #tpu.memory_space<vmem_shared>>
      tpu.enqueue_dma source(%dma_start3A_133 : memref<80x1024xf32, #tpu.memory_space<vmem_shared>>) target(%dma_start3A_131 : memref<80x1024xf32, #tpu.memory_space<hbm>>) target_semaphore(%arg9 : memref<!tpu.dma_semaphore, #tpu.memory_space<semaphore_mem>>)
      %mul3A_134 = arith.constant 8 : i32
      %mul3A_135 = arith.muli %select_n3A_30, %mul3A_134 : i32
      %add3A_136 = arith.constant 1 : i32
      %add3A_137 = arith.addi %mul3A_135, %add3A_136 : i32
      %jit3A_138 = arith.constant 24 : i32
      %eq3A_139 = arith.constant 0 : i32
      %eq3A_140 = arith.cmpi eq, %jit3A_138, %eq3A_139 : i32
      %jit3A_141 = arith.constant 1 : i32
      %select_n3A_142 = arith.select %eq3A_140, %jit3A_141, %jit3A_138 : i32
      %rem3A_143 = arith.remsi %add3A_137, %select_n3A_142 : i32
      %ne3A_144 = arith.constant 0 : i32
      %ne3A_145 = arith.cmpi ne, %rem3A_143, %ne3A_144 : i32
      %lt3A_146 = arith.constant 0 : i32
      %lt3A_147 = arith.cmpi slt, %rem3A_143, %lt3A_146 : i32
      %lt3A_148 = arith.constant 0 : i32
      %lt3A_149 = arith.cmpi slt, %select_n3A_142, %lt3A_148 : i32
      %ne3A_150 = arith.xori %lt3A_147, %lt3A_149 : i1
      %and3A_151 = arith.andi %ne3A_150, %ne3A_145 : i1
      %add3A_152 = arith.addi %rem3A_143, %select_n3A_142 : i32
      %select_n3A_153 = arith.select %and3A_151, %add3A_152, %rem3A_143 : i32
      %mul3A_154 = arith.constant 616 : i32
      %mul3A_155 = arith.muli %select_n3A_30, %mul3A_154 : i32
      %add3A_156 = arith.addi %multiple_of3A, %mul3A_155 : i32
      %add3A_157 = arith.constant 80 : i32
      %add3A_158 = arith.addi %add3A_156, %add3A_157 : i32
      %multiple_of3A_159 = tpu.assume_multiple %add3A_158, 8 : i32
      %mul3A_160 = arith.constant 80 : i32
      %mul3A_161 = arith.muli %select_n3A_153, %mul3A_160 : i32
      %dma_start3A_162 = arith.constant 0 : i32
      %dma_start3A_163 = tpu.memref_slice %arg5[%add3A, %multiple_of3A_159, %dma_start3A_162] : memref<4x8192x1024xf32, #tpu.memory_space<hbm>> -> memref<1x80x1024xf32, #tpu.memory_space<hbm>>
      %dma_start3A_164 = tpu.memref_squeeze %dma_start3A_163 : memref<1x80x1024xf32, #tpu.memory_space<hbm>> -> memref<80x1024xf32, #tpu.memory_space<hbm>>
      %dma_start3A_165 = arith.constant 0 : i32
      %dma_start3A_166 = tpu.memref_slice %arg7[%mul3A_161, %dma_start3A_165] : memref<1920x1024xf32, #tpu.memory_space<vmem_shared>> -> memref<80x1024xf32, #tpu.memory_space<vmem_shared>>
      tpu.enqueue_dma source(%dma_start3A_166 : memref<80x1024xf32, #tpu.memory_space<vmem_shared>>) target(%dma_start3A_164 : memref<80x1024xf32, #tpu.memory_space<hbm>>) target_semaphore(%arg9 : memref<!tpu.dma_semaphore, #tpu.memory_space<semaphore_mem>>)
      %mul3A_167 = arith.constant 8 : i32
      %mul3A_168 = arith.muli %select_n3A_30, %mul3A_167 : i32
      %add3A_169 = arith.constant 2 : i32
      %add3A_170 = arith.addi %mul3A_168, %add3A_169 : i32
      %jit3A_171 = arith.constant 24 : i32
      %eq3A_172 = arith.constant 0 : i32
      %eq3A_173 = arith.cmpi eq, %jit3A_171, %eq3A_172 : i32
      %jit3A_174 = arith.constant 1 : i32
      %select_n3A_175 = arith.select %eq3A_173, %jit3A_174, %jit3A_171 : i32
      %rem3A_176 = arith.remsi %add3A_170, %select_n3A_175 : i32
      %ne3A_177 = arith.constant 0 : i32
      %ne3A_178 = arith.cmpi ne, %rem3A_176, %ne3A_177 : i32
      %lt3A_179 = arith.constant 0 : i32
      %lt3A_180 = arith.cmpi slt, %rem3A_176, %lt3A_179 : i32
      %lt3A_181 = arith.constant 0 : i32
      %lt3A_182 = arith.cmpi slt, %select_n3A_175, %lt3A_181 : i32
      %ne3A_183 = arith.xori %lt3A_180, %lt3A_182 : i1
      %and3A_184 = arith.andi %ne3A_183, %ne3A_178 : i1
      %add3A_185 = arith.addi %rem3A_176, %select_n3A_175 : i32
      %select_n3A_186 = arith.select %and3A_184, %add3A_185, %rem3A_176 : i32
      %mul3A_187 = arith.constant 616 : i32
      %mul3A_188 = arith.muli %select_n3A_30, %mul3A_187 : i32
      %add3A_189 = arith.addi %multiple_of3A, %mul3A_188 : i32
      %add3A_190 = arith.constant 160 : i32
      %add3A_191 = arith.addi %add3A_189, %add3A_190 : i32
      %multiple_of3A_192 = tpu.assume_multiple %add3A_191, 8 : i32
      %mul3A_193 = arith.constant 80 : i32
      %mul3A_194 = arith.muli %select_n3A_186, %mul3A_193 : i32
      %dma_start3A_195 = arith.constant 0 : i32
      %dma_start3A_196 = tpu.memref_slice %arg5[%add3A, %multiple_of3A_192, %dma_start3A_195] : memref<4x8192x1024xf32, #tpu.memory_space<hbm>> -> memref<1x80x1024xf32, #tpu.memory_space<hbm>>
      %dma_start3A_197 = tpu.memref_squeeze %dma_start3A_196 : memref<1x80x1024xf32, #tpu.memory_space<hbm>> -> memref<80x1024xf32, #tpu.memory_space<hbm>>
      %dma_start3A_198 = arith.constant 0 : i32
      %dma_start3A_199 = tpu.memref_slice %arg7[%mul3A_194, %dma_start3A_198] : memref<1920x1024xf32, #tpu.memory_space<vmem_shared>> -> memref<80x1024xf32, #tpu.memory_space<vmem_shared>>
      tpu.enqueue_dma source(%dma_start3A_199 : memref<80x1024xf32, #tpu.memory_space<vmem_shared>>) target(%dma_start3A_197 : memref<80x1024xf32, #tpu.memory_space<hbm>>) target_semaphore(%arg9 : memref<!tpu.dma_semaphore, #tpu.memory_space<semaphore_mem>>)
      %mul3A_200 = arith.constant 8 : i32
      %mul3A_201 = arith.muli %select_n3A_30, %mul3A_200 : i32
      %add3A_202 = arith.constant 3 : i32
      %add3A_203 = arith.addi %mul3A_201, %add3A_202 : i32
      %jit3A_204 = arith.constant 24 : i32
      %eq3A_205 = arith.constant 0 : i32
      %eq3A_206 = arith.cmpi eq, %jit3A_204, %eq3A_205 : i32
      %jit3A_207 = arith.constant 1 : i32
      %select_n3A_208 = arith.select %eq3A_206, %jit3A_207, %jit3A_204 : i32
      %rem3A_209 = arith.remsi %add3A_203, %select_n3A_208 : i32
      %ne3A_210 = arith.constant 0 : i32
      %ne3A_211 = arith.cmpi ne, %rem3A_209, %ne3A_210 : i32
      %lt3A_212 = arith.constant 0 : i32
      %lt3A_213 = arith.cmpi slt, %rem3A_209, %lt3A_212 : i32
      %lt3A_214 = arith.constant 0 : i32
      %lt3A_215 = arith.cmpi slt, %select_n3A_208, %lt3A_214 : i32
      %ne3A_216 = arith.xori %lt3A_213, %lt3A_215 : i1
      %and3A_217 = arith.andi %ne3A_216, %ne3A_211 : i1
      %add3A_218 = arith.addi %rem3A_209, %select_n3A_208 : i32
      %select_n3A_219 = arith.select %and3A_217, %add3A_218, %rem3A_209 : i32
      %mul3A_220 = arith.constant 616 : i32
      %mul3A_221 = arith.muli %select_n3A_30, %mul3A_220 : i32
      %add3A_222 = arith.addi %multiple_of3A, %mul3A_221 : i32
      %add3A_223 = arith.constant 240 : i32
      %add3A_224 = arith.addi %add3A_222, %add3A_223 : i32
      %multiple_of3A_225 = tpu.assume_multiple %add3A_224, 8 : i32
      %mul3A_226 = arith.constant 80 : i32
      %mul3A_227 = arith.muli %select_n3A_219, %mul3A_226 : i32
      %dma_start3A_228 = arith.constant 0 : i32
      %dma_start3A_229 = tpu.memref_slice %arg5[%add3A, %multiple_of3A_225, %dma_start3A_228] : memref<4x8192x1024xf32, #tpu.memory_space<hbm>> -> memref<1x80x1024xf32, #tpu.memory_space<hbm>>
      %dma_start3A_230 = tpu.memref_squeeze %dma_start3A_229 : memref<1x80x1024xf32, #tpu.memory_space<hbm>> -> memref<80x1024xf32, #tpu.memory_space<hbm>>
      %dma_start3A_231 = arith.constant 0 : i32
      %dma_start3A_232 = tpu.memref_slice %arg7[%mul3A_227, %dma_start3A_231] : memref<1920x1024xf32, #tpu.memory_space<vmem_shared>> -> memref<80x1024xf32, #tpu.memory_space<vmem_shared>>
      tpu.enqueue_dma source(%dma_start3A_232 : memref<80x1024xf32, #tpu.memory_space<vmem_shared>>) target(%dma_start3A_230 : memref<80x1024xf32, #tpu.memory_space<hbm>>) target_semaphore(%arg9 : memref<!tpu.dma_semaphore, #tpu.memory_space<semaphore_mem>>)
      %mul3A_233 = arith.constant 8 : i32
      %mul3A_234 = arith.muli %select_n3A_30, %mul3A_233 : i32
      %add3A_235 = arith.constant 4 : i32
      %add3A_236 = arith.addi %mul3A_234, %add3A_235 : i32
      %jit3A_237 = arith.constant 24 : i32
      %eq3A_238 = arith.constant 0 : i32
      %eq3A_239 = arith.cmpi eq, %jit3A_237, %eq3A_238 : i32
      %jit3A_240 = arith.constant 1 : i32
      %select_n3A_241 = arith.select %eq3A_239, %jit3A_240, %jit3A_237 : i32
      %rem3A_242 = arith.remsi %add3A_236, %select_n3A_241 : i32
      %ne3A_243 = arith.constant 0 : i32
      %ne3A_244 = arith.cmpi ne, %rem3A_242, %ne3A_243 : i32
      %lt3A_245 = arith.constant 0 : i32
      %lt3A_246 = arith.cmpi slt, %rem3A_242, %lt3A_245 : i32
      %lt3A_247 = arith.constant 0 : i32
      %lt3A_248 = arith.cmpi slt, %select_n3A_241, %lt3A_247 : i32
      %ne3A_249 = arith.xori %lt3A_246, %lt3A_248 : i1
      %and3A_250 = arith.andi %ne3A_249, %ne3A_244 : i1
      %add3A_251 = arith.addi %rem3A_242, %select_n3A_241 : i32
      %select_n3A_252 = arith.select %and3A_250, %add3A_251, %rem3A_242 : i32
      %mul3A_253 = arith.constant 616 : i32
      %mul3A_254 = arith.muli %select_n3A_30, %mul3A_253 : i32
      %add3A_255 = arith.addi %multiple_of3A, %mul3A_254 : i32
      %add3A_256 = arith.constant 320 : i32
      %add3A_257 = arith.addi %add3A_255, %add3A_256 : i32
      %multiple_of3A_258 = tpu.assume_multiple %add3A_257, 8 : i32
      %mul3A_259 = arith.constant 80 : i32
      %mul3A_260 = arith.muli %select_n3A_252, %mul3A_259 : i32
      %dma_start3A_261 = arith.constant 0 : i32
      %dma_start3A_262 = tpu.memref_slice %arg5[%add3A, %multiple_of3A_258, %dma_start3A_261] : memref<4x8192x1024xf32, #tpu.memory_space<hbm>> -> memref<1x80x1024xf32, #tpu.memory_space<hbm>>
      %dma_start3A_263 = tpu.memref_squeeze %dma_start3A_262 : memref<1x80x1024xf32, #tpu.memory_space<hbm>> -> memref<80x1024xf32, #tpu.memory_space<hbm>>
      %dma_start3A_264 = arith.constant 0 : i32
      %dma_start3A_265 = tpu.memref_slice %arg7[%mul3A_260, %dma_start3A_264] : memref<1920x1024xf32, #tpu.memory_space<vmem_shared>> -> memref<80x1024xf32, #tpu.memory_space<vmem_shared>>
      tpu.enqueue_dma source(%dma_start3A_265 : memref<80x1024xf32, #tpu.memory_space<vmem_shared>>) target(%dma_start3A_263 : memref<80x1024xf32, #tpu.memory_space<hbm>>) target_semaphore(%arg9 : memref<!tpu.dma_semaphore, #tpu.memory_space<semaphore_mem>>)
      %mul3A_266 = arith.constant 8 : i32
      %mul3A_267 = arith.muli %select_n3A_30, %mul3A_266 : i32
      %add3A_268 = arith.constant 5 : i32
      %add3A_269 = arith.addi %mul3A_267, %add3A_268 : i32
      %jit3A_270 = arith.constant 24 : i32
      %eq3A_271 = arith.constant 0 : i32
      %eq3A_272 = arith.cmpi eq, %jit3A_270, %eq3A_271 : i32
      %jit3A_273 = arith.constant 1 : i32
      %select_n3A_274 = arith.select %eq3A_272, %jit3A_273, %jit3A_270 : i32
      %rem3A_275 = arith.remsi %add3A_269, %select_n3A_274 : i32
      %ne3A_276 = arith.constant 0 : i32
      %ne3A_277 = arith.cmpi ne, %rem3A_275, %ne3A_276 : i32
      %lt3A_278 = arith.constant 0 : i32
      %lt3A_279 = arith.cmpi slt, %rem3A_275, %lt3A_278 : i32
      %lt3A_280 = arith.constant 0 : i32
      %lt3A_281 = arith.cmpi slt, %select_n3A_274, %lt3A_280 : i32
      %ne3A_282 = arith.xori %lt3A_279, %lt3A_281 : i1
      %and3A_283 = arith.andi %ne3A_282, %ne3A_277 : i1
      %add3A_284 = arith.addi %rem3A_275, %select_n3A_274 : i32
      %select_n3A_285 = arith.select %and3A_283, %add3A_284, %rem3A_275 : i32
      %mul3A_286 = arith.constant 616 : i32
      %mul3A_287 = arith.muli %select_n3A_30, %mul3A_286 : i32
      %add3A_288 = arith.addi %multiple_of3A, %mul3A_287 : i32
      %add3A_289 = arith.constant 400 : i32
      %add3A_290 = arith.addi %add3A_288, %add3A_289 : i32
      %multiple_of3A_291 = tpu.assume_multiple %add3A_290, 8 : i32
      %mul3A_292 = arith.constant 80 : i32
      %mul3A_293 = arith.muli %select_n3A_285, %mul3A_292 : i32
      %dma_start3A_294 = arith.constant 0 : i32
      %dma_start3A_295 = tpu.memref_slice %arg5[%add3A, %multiple_of3A_291, %dma_start3A_294] : memref<4x8192x1024xf32, #tpu.memory_space<hbm>> -> memref<1x80x1024xf32, #tpu.memory_space<hbm>>
      %dma_start3A_296 = tpu.memref_squeeze %dma_start3A_295 : memref<1x80x1024xf32, #tpu.memory_space<hbm>> -> memref<80x1024xf32, #tpu.memory_space<hbm>>
      %dma_start3A_297 = arith.constant 0 : i32
      %dma_start3A_298 = tpu.memref_slice %arg7[%mul3A_293, %dma_start3A_297] : memref<1920x1024xf32, #tpu.memory_space<vmem_shared>> -> memref<80x1024xf32, #tpu.memory_space<vmem_shared>>
      tpu.enqueue_dma source(%dma_start3A_298 : memref<80x1024xf32, #tpu.memory_space<vmem_shared>>) target(%dma_start3A_296 : memref<80x1024xf32, #tpu.memory_space<hbm>>) target_semaphore(%arg9 : memref<!tpu.dma_semaphore, #tpu.memory_space<semaphore_mem>>)
      %mul3A_299 = arith.constant 8 : i32
      %mul3A_300 = arith.muli %select_n3A_30, %mul3A_299 : i32
      %add3A_301 = arith.constant 6 : i32
      %add3A_302 = arith.addi %mul3A_300, %add3A_301 : i32
      %jit3A_303 = arith.constant 24 : i32
      %eq3A_304 = arith.constant 0 : i32
      %eq3A_305 = arith.cmpi eq, %jit3A_303, %eq3A_304 : i32
      %jit3A_306 = arith.constant 1 : i32
      %select_n3A_307 = arith.select %eq3A_305, %jit3A_306, %jit3A_303 : i32
      %rem3A_308 = arith.remsi %add3A_302, %select_n3A_307 : i32
      %ne3A_309 = arith.constant 0 : i32
      %ne3A_310 = arith.cmpi ne, %rem3A_308, %ne3A_309 : i32
      %lt3A_311 = arith.constant 0 : i32
      %lt3A_312 = arith.cmpi slt, %rem3A_308, %lt3A_311 : i32
      %lt3A_313 = arith.constant 0 : i32
      %lt3A_314 = arith.cmpi slt, %select_n3A_307, %lt3A_313 : i32
      %ne3A_315 = arith.xori %lt3A_312, %lt3A_314 : i1
      %and3A_316 = arith.andi %ne3A_315, %ne3A_310 : i1
      %add3A_317 = arith.addi %rem3A_308, %select_n3A_307 : i32
      %select_n3A_318 = arith.select %and3A_316, %add3A_317, %rem3A_308 : i32
      %mul3A_319 = arith.constant 616 : i32
      %mul3A_320 = arith.muli %select_n3A_30, %mul3A_319 : i32
      %add3A_321 = arith.addi %multiple_of3A, %mul3A_320 : i32
      %add3A_322 = arith.constant 480 : i32
      %add3A_323 = arith.addi %add3A_321, %add3A_322 : i32
      %multiple_of3A_324 = tpu.assume_multiple %add3A_323, 8 : i32
      %mul3A_325 = arith.constant 80 : i32
      %mul3A_326 = arith.muli %select_n3A_318, %mul3A_325 : i32
      %dma_start3A_327 = arith.constant 0 : i32
      %dma_start3A_328 = tpu.memref_slice %arg5[%add3A, %multiple_of3A_324, %dma_start3A_327] : memref<4x8192x1024xf32, #tpu.memory_space<hbm>> -> memref<1x80x1024xf32, #tpu.memory_space<hbm>>
      %dma_start3A_329 = tpu.memref_squeeze %dma_start3A_328 : memref<1x80x1024xf32, #tpu.memory_space<hbm>> -> memref<80x1024xf32, #tpu.memory_space<hbm>>
      %dma_start3A_330 = arith.constant 0 : i32
      %dma_start3A_331 = tpu.memref_slice %arg7[%mul3A_326, %dma_start3A_330] : memref<1920x1024xf32, #tpu.memory_space<vmem_shared>> -> memref<80x1024xf32, #tpu.memory_space<vmem_shared>>
      tpu.enqueue_dma source(%dma_start3A_331 : memref<80x1024xf32, #tpu.memory_space<vmem_shared>>) target(%dma_start3A_329 : memref<80x1024xf32, #tpu.memory_space<hbm>>) target_semaphore(%arg9 : memref<!tpu.dma_semaphore, #tpu.memory_space<semaphore_mem>>)
      %mul3A_332 = arith.constant 8 : i32
      %mul3A_333 = arith.muli %select_n3A_30, %mul3A_332 : i32
      %add3A_334 = arith.constant 7 : i32
      %add3A_335 = arith.addi %mul3A_333, %add3A_334 : i32
      %jit3A_336 = arith.constant 24 : i32
      %eq3A_337 = arith.constant 0 : i32
      %eq3A_338 = arith.cmpi eq, %jit3A_336, %eq3A_337 : i32
      %jit3A_339 = arith.constant 1 : i32
      %select_n3A_340 = arith.select %eq3A_338, %jit3A_339, %jit3A_336 : i32
      %rem3A_341 = arith.remsi %add3A_335, %select_n3A_340 : i32
      %ne3A_342 = arith.constant 0 : i32
      %ne3A_343 = arith.cmpi ne, %rem3A_341, %ne3A_342 : i32
      %lt3A_344 = arith.constant 0 : i32
      %lt3A_345 = arith.cmpi slt, %rem3A_341, %lt3A_344 : i32
      %lt3A_346 = arith.constant 0 : i32
      %lt3A_347 = arith.cmpi slt, %select_n3A_340, %lt3A_346 : i32
      %ne3A_348 = arith.xori %lt3A_345, %lt3A_347 : i1
      %and3A_349 = arith.andi %ne3A_348, %ne3A_343 : i1
      %add3A_350 = arith.addi %rem3A_341, %select_n3A_340 : i32
      %select_n3A_351 = arith.select %and3A_349, %add3A_350, %rem3A_341 : i32
      %mul3A_352 = arith.constant 616 : i32
      %mul3A_353 = arith.muli %select_n3A_30, %mul3A_352 : i32
      %add3A_354 = arith.addi %multiple_of3A, %mul3A_353 : i32
      %add3A_355 = arith.constant 560 : i32
      %add3A_356 = arith.addi %add3A_354, %add3A_355 : i32
      %multiple_of3A_357 = tpu.assume_multiple %add3A_356, 8 : i32
      %mul3A_358 = arith.constant 80 : i32
      %mul3A_359 = arith.muli %select_n3A_351, %mul3A_358 : i32
      %dma_start3A_360 = arith.constant 0 : i32
      %dma_start3A_361 = tpu.memref_slice %arg5[%add3A, %multiple_of3A_357, %dma_start3A_360] : memref<4x8192x1024xf32, #tpu.memory_space<hbm>> -> memref<1x32x1024xf32, #tpu.memory_space<hbm>>
      %dma_start3A_362 = tpu.memref_squeeze %dma_start3A_361 : memref<1x32x1024xf32, #tpu.memory_space<hbm>> -> memref<32x1024xf32, #tpu.memory_space<hbm>>
      %dma_start3A_363 = arith.constant 0 : i32
      %dma_start3A_364 = tpu.memref_slice %arg7[%mul3A_359, %dma_start3A_363] : memref<1920x1024xf32, #tpu.memory_space<vmem_shared>> -> memref<32x1024xf32, #tpu.memory_space<vmem_shared>>
      tpu.enqueue_dma source(%dma_start3A_364 : memref<32x1024xf32, #tpu.memory_space<vmem_shared>>) target(%dma_start3A_362 : memref<32x1024xf32, #tpu.memory_space<hbm>>) target_semaphore(%arg9 : memref<!tpu.dma_semaphore, #tpu.memory_space<semaphore_mem>>)
      %add3A_365 = arith.constant 4915 : i32
      %add3A_366 = arith.addi %select_n3A_59, %add3A_365 : i32
      %and3A_367 = arith.constant -8 : i32
      %and3A_368 = arith.andi %add3A_366, %and3A_367 : i32
      %sub3A_369 = arith.subi %and3A_368, %multiple_of3A : i32
      %gt3A_370 = arith.constant 4904 : i32
      %gt3A_371 = arith.cmpi sgt, %sub3A_369, %gt3A_370 : i32
      %convert_element_type3A_372 = arith.extui %gt3A_371 : i1 to i32
      %cond3A_373 = arith.constant 0 : i32
      %cond3A_374 = arith.cmpi ne, %convert_element_type3A_372, %cond3A_373 : i32
      scf.if %cond3A_374 {
        %add3A_375 = arith.constant 4904 : i32
        %add3A_376 = arith.addi %multiple_of3A, %add3A_375 : i32
        %multiple_of3A_377 = tpu.assume_multiple %add3A_376, 8 : i32
        %dma_start3A_378 = arith.constant 0 : i32
        %dma_start3A_379 = tpu.memref_slice %arg5[%add3A, %multiple_of3A_377, %dma_start3A_378] : memref<4x8192x1024xf32, #tpu.memory_space<hbm>> -> memref<1x8x1024xf32, #tpu.memory_space<hbm>>
        %dma_start3A_380 = tpu.memref_squeeze %dma_start3A_379 : memref<1x8x1024xf32, #tpu.memory_space<hbm>> -> memref<8x1024xf32, #tpu.memory_space<hbm>>
        %dma_start3A_381 = arith.constant 0 : i32
        %dma_start3A_382 = arith.constant 0 : i32
        %dma_start3A_383 = tpu.memref_slice %arg7[%dma_start3A_381, %dma_start3A_382] : memref<1920x1024xf32, #tpu.memory_space<vmem_shared>> -> memref<8x1024xf32, #tpu.memory_space<vmem_shared>>
        tpu.enqueue_dma source(%dma_start3A_383 : memref<8x1024xf32, #tpu.memory_space<vmem_shared>>) target(%dma_start3A_380 : memref<8x1024xf32, #tpu.memory_space<hbm>>) target_semaphore(%arg9 : memref<!tpu.dma_semaphore, #tpu.memory_space<semaphore_mem>>)
      } else {
      }
    } else {
    }
    %lt3A_91 = arith.constant 7 : i32
    %lt3A_92 = arith.cmpi slt, %select_n3A_30, %lt3A_91 : i32
    %convert_element_type3A_93 = arith.extui %lt3A_92 : i1 to i32
    %cond3A_94 = arith.constant 0 : i32
    %cond3A_95 = arith.cmpi ne, %convert_element_type3A_93, %cond3A_94 : i32
    scf.if %cond3A_95 {
      %mul3A_101 = arith.constant 8 : i32
      %mul3A_102 = arith.muli %select_n3A_30, %mul3A_101 : i32
      %add3A_103 = arith.constant 0 : i32
      %add3A_104 = arith.addi %mul3A_102, %add3A_103 : i32
      %jit3A_105 = arith.constant 24 : i32
      %eq3A_106 = arith.constant 0 : i32
      %eq3A_107 = arith.cmpi eq, %jit3A_105, %eq3A_106 : i32
      %jit3A_108 = arith.constant 1 : i32
      %select_n3A_109 = arith.select %eq3A_107, %jit3A_108, %jit3A_105 : i32
      %rem3A_110 = arith.remsi %add3A_104, %select_n3A_109 : i32
      %ne3A_111 = arith.constant 0 : i32
      %ne3A_112 = arith.cmpi ne, %rem3A_110, %ne3A_111 : i32
      %lt3A_113 = arith.constant 0 : i32
      %lt3A_114 = arith.cmpi slt, %rem3A_110, %lt3A_113 : i32
      %lt3A_115 = arith.constant 0 : i32
      %lt3A_116 = arith.cmpi slt, %select_n3A_109, %lt3A_115 : i32
      %ne3A_117 = arith.xori %lt3A_114, %lt3A_116 : i1
      %and3A_118 = arith.andi %ne3A_117, %ne3A_112 : i1
      %add3A_119 = arith.addi %rem3A_110, %select_n3A_109 : i32
      %select_n3A_120 = arith.select %and3A_118, %add3A_119, %rem3A_110 : i32
      %mul3A_121 = arith.constant 616 : i32
      %mul3A_122 = arith.muli %select_n3A_30, %mul3A_121 : i32
      %add3A_123 = arith.addi %multiple_of3A, %mul3A_122 : i32
      %add3A_124 = arith.constant 0 : i32
      %add3A_125 = arith.addi %add3A_123, %add3A_124 : i32
      %multiple_of3A_126 = tpu.assume_multiple %add3A_125, 8 : i32
      %mul3A_127 = arith.constant 80 : i32
      %mul3A_128 = arith.muli %select_n3A_120, %mul3A_127 : i32
      %dma_wait3A_129 = arith.constant 0 : i32
      %dma_wait3A_130 = tpu.memref_slice %arg5[%add3A, %multiple_of3A_126, %dma_wait3A_129] : memref<4x8192x1024xf32, #tpu.memory_space<hbm>> -> memref<1x80x1024xf32, #tpu.memory_space<hbm>>
      %dma_wait3A_131 = tpu.memref_squeeze %dma_wait3A_130 : memref<1x80x1024xf32, #tpu.memory_space<hbm>> -> memref<80x1024xf32, #tpu.memory_space<hbm>>
      %dma_wait3A_132 = arith.constant 0 : i32
      %dma_wait3A_133 = tpu.memref_slice %arg7[%mul3A_128, %dma_wait3A_132] : memref<1920x1024xf32, #tpu.memory_space<vmem_shared>> -> memref<80x1024xf32, #tpu.memory_space<vmem_shared>>
      tpu.wait_dma2 semaphore(%arg9 : memref<!tpu.dma_semaphore, #tpu.memory_space<semaphore_mem>>) src(%dma_wait3A_133 : memref<80x1024xf32, #tpu.memory_space<vmem_shared>>) dst(%dma_wait3A_131 : memref<80x1024xf32, #tpu.memory_space<hbm>>)
      %mul3A_134 = arith.constant 8 : i32
      %mul3A_135 = arith.muli %select_n3A_30, %mul3A_134 : i32
      %add3A_136 = arith.constant 1 : i32
      %add3A_137 = arith.addi %mul3A_135, %add3A_136 : i32
      %jit3A_138 = arith.constant 24 : i32
      %eq3A_139 = arith.constant 0 : i32
      %eq3A_140 = arith.cmpi eq, %jit3A_138, %eq3A_139 : i32
      %jit3A_141 = arith.constant 1 : i32
      %select_n3A_142 = arith.select %eq3A_140, %jit3A_141, %jit3A_138 : i32
      %rem3A_143 = arith.remsi %add3A_137, %select_n3A_142 : i32
      %ne3A_144 = arith.constant 0 : i32
      %ne3A_145 = arith.cmpi ne, %rem3A_143, %ne3A_144 : i32
      %lt3A_146 = arith.constant 0 : i32
      %lt3A_147 = arith.cmpi slt, %rem3A_143, %lt3A_146 : i32
      %lt3A_148 = arith.constant 0 : i32
      %lt3A_149 = arith.cmpi slt, %select_n3A_142, %lt3A_148 : i32
      %ne3A_150 = arith.xori %lt3A_147, %lt3A_149 : i1
      %and3A_151 = arith.andi %ne3A_150, %ne3A_145 : i1
      %add3A_152 = arith.addi %rem3A_143, %select_n3A_142 : i32
      %select_n3A_153 = arith.select %and3A_151, %add3A_152, %rem3A_143 : i32
      %mul3A_154 = arith.constant 616 : i32
      %mul3A_155 = arith.muli %select_n3A_30, %mul3A_154 : i32
      %add3A_156 = arith.addi %multiple_of3A, %mul3A_155 : i32
      %add3A_157 = arith.constant 80 : i32
      %add3A_158 = arith.addi %add3A_156, %add3A_157 : i32
      %multiple_of3A_159 = tpu.assume_multiple %add3A_158, 8 : i32
      %mul3A_160 = arith.constant 80 : i32
      %mul3A_161 = arith.muli %select_n3A_153, %mul3A_160 : i32
      %dma_wait3A_162 = arith.constant 0 : i32
      %dma_wait3A_163 = tpu.memref_slice %arg5[%add3A, %multiple_of3A_159, %dma_wait3A_162] : memref<4x8192x1024xf32, #tpu.memory_space<hbm>> -> memref<1x80x1024xf32, #tpu.memory_space<hbm>>
      %dma_wait3A_164 = tpu.memref_squeeze %dma_wait3A_163 : memref<1x80x1024xf32, #tpu.memory_space<hbm>> -> memref<80x1024xf32, #tpu.memory_space<hbm>>
      %dma_wait3A_165 = arith.constant 0 : i32
      %dma_wait3A_166 = tpu.memref_slice %arg7[%mul3A_161, %dma_wait3A_165] : memref<1920x1024xf32, #tpu.memory_space<vmem_shared>> -> memref<80x1024xf32, #tpu.memory_space<vmem_shared>>
      tpu.wait_dma2 semaphore(%arg9 : memref<!tpu.dma_semaphore, #tpu.memory_space<semaphore_mem>>) src(%dma_wait3A_166 : memref<80x1024xf32, #tpu.memory_space<vmem_shared>>) dst(%dma_wait3A_164 : memref<80x1024xf32, #tpu.memory_space<hbm>>)
      %mul3A_167 = arith.constant 8 : i32
      %mul3A_168 = arith.muli %select_n3A_30, %mul3A_167 : i32
      %add3A_169 = arith.constant 2 : i32
      %add3A_170 = arith.addi %mul3A_168, %add3A_169 : i32
      %jit3A_171 = arith.constant 24 : i32
      %eq3A_172 = arith.constant 0 : i32
      %eq3A_173 = arith.cmpi eq, %jit3A_171, %eq3A_172 : i32
      %jit3A_174 = arith.constant 1 : i32
      %select_n3A_175 = arith.select %eq3A_173, %jit3A_174, %jit3A_171 : i32
      %rem3A_176 = arith.remsi %add3A_170, %select_n3A_175 : i32
      %ne3A_177 = arith.constant 0 : i32
      %ne3A_178 = arith.cmpi ne, %rem3A_176, %ne3A_177 : i32
      %lt3A_179 = arith.constant 0 : i32
      %lt3A_180 = arith.cmpi slt, %rem3A_176, %lt3A_179 : i32
      %lt3A_181 = arith.constant 0 : i32
      %lt3A_182 = arith.cmpi slt, %select_n3A_175, %lt3A_181 : i32
      %ne3A_183 = arith.xori %lt3A_180, %lt3A_182 : i1
      %and3A_184 = arith.andi %ne3A_183, %ne3A_178 : i1
      %add3A_185 = arith.addi %rem3A_176, %select_n3A_175 : i32
      %select_n3A_186 = arith.select %and3A_184, %add3A_185, %rem3A_176 : i32
      %mul3A_187 = arith.constant 616 : i32
      %mul3A_188 = arith.muli %select_n3A_30, %mul3A_187 : i32
      %add3A_189 = arith.addi %multiple_of3A, %mul3A_188 : i32
      %add3A_190 = arith.constant 160 : i32
      %add3A_191 = arith.addi %add3A_189, %add3A_190 : i32
      %multiple_of3A_192 = tpu.assume_multiple %add3A_191, 8 : i32
      %mul3A_193 = arith.constant 80 : i32
      %mul3A_194 = arith.muli %select_n3A_186, %mul3A_193 : i32
      %dma_wait3A_195 = arith.constant 0 : i32
      %dma_wait3A_196 = tpu.memref_slice %arg5[%add3A, %multiple_of3A_192, %dma_wait3A_195] : memref<4x8192x1024xf32, #tpu.memory_space<hbm>> -> memref<1x80x1024xf32, #tpu.memory_space<hbm>>
      %dma_wait3A_197 = tpu.memref_squeeze %dma_wait3A_196 : memref<1x80x1024xf32, #tpu.memory_space<hbm>> -> memref<80x1024xf32, #tpu.memory_space<hbm>>
      %dma_wait3A_198 = arith.constant 0 : i32
      %dma_wait3A_199 = tpu.memref_slice %arg7[%mul3A_194, %dma_wait3A_198] : memref<1920x1024xf32, #tpu.memory_space<vmem_shared>> -> memref<80x1024xf32, #tpu.memory_space<vmem_shared>>
      tpu.wait_dma2 semaphore(%arg9 : memref<!tpu.dma_semaphore, #tpu.memory_space<semaphore_mem>>) src(%dma_wait3A_199 : memref<80x1024xf32, #tpu.memory_space<vmem_shared>>) dst(%dma_wait3A_197 : memref<80x1024xf32, #tpu.memory_space<hbm>>)
      %mul3A_200 = arith.constant 8 : i32
      %mul3A_201 = arith.muli %select_n3A_30, %mul3A_200 : i32
      %add3A_202 = arith.constant 3 : i32
      %add3A_203 = arith.addi %mul3A_201, %add3A_202 : i32
      %jit3A_204 = arith.constant 24 : i32
      %eq3A_205 = arith.constant 0 : i32
      %eq3A_206 = arith.cmpi eq, %jit3A_204, %eq3A_205 : i32
      %jit3A_207 = arith.constant 1 : i32
      %select_n3A_208 = arith.select %eq3A_206, %jit3A_207, %jit3A_204 : i32
      %rem3A_209 = arith.remsi %add3A_203, %select_n3A_208 : i32
      %ne3A_210 = arith.constant 0 : i32
      %ne3A_211 = arith.cmpi ne, %rem3A_209, %ne3A_210 : i32
      %lt3A_212 = arith.constant 0 : i32
      %lt3A_213 = arith.cmpi slt, %rem3A_209, %lt3A_212 : i32
      %lt3A_214 = arith.constant 0 : i32
      %lt3A_215 = arith.cmpi slt, %select_n3A_208, %lt3A_214 : i32
      %ne3A_216 = arith.xori %lt3A_213, %lt3A_215 : i1
      %and3A_217 = arith.andi %ne3A_216, %ne3A_211 : i1
      %add3A_218 = arith.addi %rem3A_209, %select_n3A_208 : i32
      %select_n3A_219 = arith.select %and3A_217, %add3A_218, %rem3A_209 : i32
      %mul3A_220 = arith.constant 616 : i32
      %mul3A_221 = arith.muli %select_n3A_30, %mul3A_220 : i32
      %add3A_222 = arith.addi %multiple_of3A, %mul3A_221 : i32
      %add3A_223 = arith.constant 240 : i32
      %add3A_224 = arith.addi %add3A_222, %add3A_223 : i32
      %multiple_of3A_225 = tpu.assume_multiple %add3A_224, 8 : i32
      %mul3A_226 = arith.constant 80 : i32
      %mul3A_227 = arith.muli %select_n3A_219, %mul3A_226 : i32
      %dma_wait3A_228 = arith.constant 0 : i32
      %dma_wait3A_229 = tpu.memref_slice %arg5[%add3A, %multiple_of3A_225, %dma_wait3A_228] : memref<4x8192x1024xf32, #tpu.memory_space<hbm>> -> memref<1x80x1024xf32, #tpu.memory_space<hbm>>
      %dma_wait3A_230 = tpu.memref_squeeze %dma_wait3A_229 : memref<1x80x1024xf32, #tpu.memory_space<hbm>> -> memref<80x1024xf32, #tpu.memory_space<hbm>>
      %dma_wait3A_231 = arith.constant 0 : i32
      %dma_wait3A_232 = tpu.memref_slice %arg7[%mul3A_227, %dma_wait3A_231] : memref<1920x1024xf32, #tpu.memory_space<vmem_shared>> -> memref<80x1024xf32, #tpu.memory_space<vmem_shared>>
      tpu.wait_dma2 semaphore(%arg9 : memref<!tpu.dma_semaphore, #tpu.memory_space<semaphore_mem>>) src(%dma_wait3A_232 : memref<80x1024xf32, #tpu.memory_space<vmem_shared>>) dst(%dma_wait3A_230 : memref<80x1024xf32, #tpu.memory_space<hbm>>)
      %mul3A_233 = arith.constant 8 : i32
      %mul3A_234 = arith.muli %select_n3A_30, %mul3A_233 : i32
      %add3A_235 = arith.constant 4 : i32
      %add3A_236 = arith.addi %mul3A_234, %add3A_235 : i32
      %jit3A_237 = arith.constant 24 : i32
      %eq3A_238 = arith.constant 0 : i32
      %eq3A_239 = arith.cmpi eq, %jit3A_237, %eq3A_238 : i32
      %jit3A_240 = arith.constant 1 : i32
      %select_n3A_241 = arith.select %eq3A_239, %jit3A_240, %jit3A_237 : i32
      %rem3A_242 = arith.remsi %add3A_236, %select_n3A_241 : i32
      %ne3A_243 = arith.constant 0 : i32
      %ne3A_244 = arith.cmpi ne, %rem3A_242, %ne3A_243 : i32
      %lt3A_245 = arith.constant 0 : i32
      %lt3A_246 = arith.cmpi slt, %rem3A_242, %lt3A_245 : i32
      %lt3A_247 = arith.constant 0 : i32
      %lt3A_248 = arith.cmpi slt, %select_n3A_241, %lt3A_247 : i32
      %ne3A_249 = arith.xori %lt3A_246, %lt3A_248 : i1
      %and3A_250 = arith.andi %ne3A_249, %ne3A_244 : i1
      %add3A_251 = arith.addi %rem3A_242, %select_n3A_241 : i32
      %select_n3A_252 = arith.select %and3A_250, %add3A_251, %rem3A_242 : i32
      %mul3A_253 = arith.constant 616 : i32
      %mul3A_254 = arith.muli %select_n3A_30, %mul3A_253 : i32
      %add3A_255 = arith.addi %multiple_of3A, %mul3A_254 : i32
      %add3A_256 = arith.constant 320 : i32
      %add3A_257 = arith.addi %add3A_255, %add3A_256 : i32
      %multiple_of3A_258 = tpu.assume_multiple %add3A_257, 8 : i32
      %mul3A_259 = arith.constant 80 : i32
      %mul3A_260 = arith.muli %select_n3A_252, %mul3A_259 : i32
      %dma_wait3A_261 = arith.constant 0 : i32
      %dma_wait3A_262 = tpu.memref_slice %arg5[%add3A, %multiple_of3A_258, %dma_wait3A_261] : memref<4x8192x1024xf32, #tpu.memory_space<hbm>> -> memref<1x80x1024xf32, #tpu.memory_space<hbm>>
      %dma_wait3A_263 = tpu.memref_squeeze %dma_wait3A_262 : memref<1x80x1024xf32, #tpu.memory_space<hbm>> -> memref<80x1024xf32, #tpu.memory_space<hbm>>
      %dma_wait3A_264 = arith.constant 0 : i32
      %dma_wait3A_265 = tpu.memref_slice %arg7[%mul3A_260, %dma_wait3A_264] : memref<1920x1024xf32, #tpu.memory_space<vmem_shared>> -> memref<80x1024xf32, #tpu.memory_space<vmem_shared>>
      tpu.wait_dma2 semaphore(%arg9 : memref<!tpu.dma_semaphore, #tpu.memory_space<semaphore_mem>>) src(%dma_wait3A_265 : memref<80x1024xf32, #tpu.memory_space<vmem_shared>>) dst(%dma_wait3A_263 : memref<80x1024xf32, #tpu.memory_space<hbm>>)
      %mul3A_266 = arith.constant 8 : i32
      %mul3A_267 = arith.muli %select_n3A_30, %mul3A_266 : i32
      %add3A_268 = arith.constant 5 : i32
      %add3A_269 = arith.addi %mul3A_267, %add3A_268 : i32
      %jit3A_270 = arith.constant 24 : i32
      %eq3A_271 = arith.constant 0 : i32
      %eq3A_272 = arith.cmpi eq, %jit3A_270, %eq3A_271 : i32
      %jit3A_273 = arith.constant 1 : i32
      %select_n3A_274 = arith.select %eq3A_272, %jit3A_273, %jit3A_270 : i32
      %rem3A_275 = arith.remsi %add3A_269, %select_n3A_274 : i32
      %ne3A_276 = arith.constant 0 : i32
      %ne3A_277 = arith.cmpi ne, %rem3A_275, %ne3A_276 : i32
      %lt3A_278 = arith.constant 0 : i32
      %lt3A_279 = arith.cmpi slt, %rem3A_275, %lt3A_278 : i32
      %lt3A_280 = arith.constant 0 : i32
      %lt3A_281 = arith.cmpi slt, %select_n3A_274, %lt3A_280 : i32
      %ne3A_282 = arith.xori %lt3A_279, %lt3A_281 : i1
      %and3A_283 = arith.andi %ne3A_282, %ne3A_277 : i1
      %add3A_284 = arith.addi %rem3A_275, %select_n3A_274 : i32
      %select_n3A_285 = arith.select %and3A_283, %add3A_284, %rem3A_275 : i32
      %mul3A_286 = arith.constant 616 : i32
      %mul3A_287 = arith.muli %select_n3A_30, %mul3A_286 : i32
      %add3A_288 = arith.addi %multiple_of3A, %mul3A_287 : i32
      %add3A_289 = arith.constant 400 : i32
      %add3A_290 = arith.addi %add3A_288, %add3A_289 : i32
      %multiple_of3A_291 = tpu.assume_multiple %add3A_290, 8 : i32
      %mul3A_292 = arith.constant 80 : i32
      %mul3A_293 = arith.muli %select_n3A_285, %mul3A_292 : i32
      %dma_wait3A_294 = arith.constant 0 : i32
      %dma_wait3A_295 = tpu.memref_slice %arg5[%add3A, %multiple_of3A_291, %dma_wait3A_294] : memref<4x8192x1024xf32, #tpu.memory_space<hbm>> -> memref<1x80x1024xf32, #tpu.memory_space<hbm>>
      %dma_wait3A_296 = tpu.memref_squeeze %dma_wait3A_295 : memref<1x80x1024xf32, #tpu.memory_space<hbm>> -> memref<80x1024xf32, #tpu.memory_space<hbm>>
      %dma_wait3A_297 = arith.constant 0 : i32
      %dma_wait3A_298 = tpu.memref_slice %arg7[%mul3A_293, %dma_wait3A_297] : memref<1920x1024xf32, #tpu.memory_space<vmem_shared>> -> memref<80x1024xf32, #tpu.memory_space<vmem_shared>>
      tpu.wait_dma2 semaphore(%arg9 : memref<!tpu.dma_semaphore, #tpu.memory_space<semaphore_mem>>) src(%dma_wait3A_298 : memref<80x1024xf32, #tpu.memory_space<vmem_shared>>) dst(%dma_wait3A_296 : memref<80x1024xf32, #tpu.memory_space<hbm>>)
      %mul3A_299 = arith.constant 8 : i32
      %mul3A_300 = arith.muli %select_n3A_30, %mul3A_299 : i32
      %add3A_301 = arith.constant 6 : i32
      %add3A_302 = arith.addi %mul3A_300, %add3A_301 : i32
      %jit3A_303 = arith.constant 24 : i32
      %eq3A_304 = arith.constant 0 : i32
      %eq3A_305 = arith.cmpi eq, %jit3A_303, %eq3A_304 : i32
      %jit3A_306 = arith.constant 1 : i32
      %select_n3A_307 = arith.select %eq3A_305, %jit3A_306, %jit3A_303 : i32
      %rem3A_308 = arith.remsi %add3A_302, %select_n3A_307 : i32
      %ne3A_309 = arith.constant 0 : i32
      %ne3A_310 = arith.cmpi ne, %rem3A_308, %ne3A_309 : i32
      %lt3A_311 = arith.constant 0 : i32
      %lt3A_312 = arith.cmpi slt, %rem3A_308, %lt3A_311 : i32
      %lt3A_313 = arith.constant 0 : i32
      %lt3A_314 = arith.cmpi slt, %select_n3A_307, %lt3A_313 : i32
      %ne3A_315 = arith.xori %lt3A_312, %lt3A_314 : i1
      %and3A_316 = arith.andi %ne3A_315, %ne3A_310 : i1
      %add3A_317 = arith.addi %rem3A_308, %select_n3A_307 : i32
      %select_n3A_318 = arith.select %and3A_316, %add3A_317, %rem3A_308 : i32
      %mul3A_319 = arith.constant 616 : i32
      %mul3A_320 = arith.muli %select_n3A_30, %mul3A_319 : i32
      %add3A_321 = arith.addi %multiple_of3A, %mul3A_320 : i32
      %add3A_322 = arith.constant 480 : i32
      %add3A_323 = arith.addi %add3A_321, %add3A_322 : i32
      %multiple_of3A_324 = tpu.assume_multiple %add3A_323, 8 : i32
      %mul3A_325 = arith.constant 80 : i32
      %mul3A_326 = arith.muli %select_n3A_318, %mul3A_325 : i32
      %dma_wait3A_327 = arith.constant 0 : i32
      %dma_wait3A_328 = tpu.memref_slice %arg5[%add3A, %multiple_of3A_324, %dma_wait3A_327] : memref<4x8192x1024xf32, #tpu.memory_space<hbm>> -> memref<1x80x1024xf32, #tpu.memory_space<hbm>>
      %dma_wait3A_329 = tpu.memref_squeeze %dma_wait3A_328 : memref<1x80x1024xf32, #tpu.memory_space<hbm>> -> memref<80x1024xf32, #tpu.memory_space<hbm>>
      %dma_wait3A_330 = arith.constant 0 : i32
      %dma_wait3A_331 = tpu.memref_slice %arg7[%mul3A_326, %dma_wait3A_330] : memref<1920x1024xf32, #tpu.memory_space<vmem_shared>> -> memref<80x1024xf32, #tpu.memory_space<vmem_shared>>
      tpu.wait_dma2 semaphore(%arg9 : memref<!tpu.dma_semaphore, #tpu.memory_space<semaphore_mem>>) src(%dma_wait3A_331 : memref<80x1024xf32, #tpu.memory_space<vmem_shared>>) dst(%dma_wait3A_329 : memref<80x1024xf32, #tpu.memory_space<hbm>>)
      %mul3A_332 = arith.constant 8 : i32
      %mul3A_333 = arith.muli %select_n3A_30, %mul3A_332 : i32
      %add3A_334 = arith.constant 7 : i32
      %add3A_335 = arith.addi %mul3A_333, %add3A_334 : i32
      %jit3A_336 = arith.constant 24 : i32
      %eq3A_337 = arith.constant 0 : i32
      %eq3A_338 = arith.cmpi eq, %jit3A_336, %eq3A_337 : i32
      %jit3A_339 = arith.constant 1 : i32
      %select_n3A_340 = arith.select %eq3A_338, %jit3A_339, %jit3A_336 : i32
      %rem3A_341 = arith.remsi %add3A_335, %select_n3A_340 : i32
      %ne3A_342 = arith.constant 0 : i32
      %ne3A_343 = arith.cmpi ne, %rem3A_341, %ne3A_342 : i32
      %lt3A_344 = arith.constant 0 : i32
      %lt3A_345 = arith.cmpi slt, %rem3A_341, %lt3A_344 : i32
      %lt3A_346 = arith.constant 0 : i32
      %lt3A_347 = arith.cmpi slt, %select_n3A_340, %lt3A_346 : i32
      %ne3A_348 = arith.xori %lt3A_345, %lt3A_347 : i1
      %and3A_349 = arith.andi %ne3A_348, %ne3A_343 : i1
      %add3A_350 = arith.addi %rem3A_341, %select_n3A_340 : i32
      %select_n3A_351 = arith.select %and3A_349, %add3A_350, %rem3A_341 : i32
      %mul3A_352 = arith.constant 616 : i32
      %mul3A_353 = arith.muli %select_n3A_30, %mul3A_352 : i32
      %add3A_354 = arith.addi %multiple_of3A, %mul3A_353 : i32
      %add3A_355 = arith.constant 560 : i32
      %add3A_356 = arith.addi %add3A_354, %add3A_355 : i32
      %multiple_of3A_357 = tpu.assume_multiple %add3A_356, 8 : i32
      %mul3A_358 = arith.constant 80 : i32
      %mul3A_359 = arith.muli %select_n3A_351, %mul3A_358 : i32
      %dma_wait3A_360 = arith.constant 0 : i32
      %dma_wait3A_361 = tpu.memref_slice %arg5[%add3A, %multiple_of3A_357, %dma_wait3A_360] : memref<4x8192x1024xf32, #tpu.memory_space<hbm>> -> memref<1x56x1024xf32, #tpu.memory_space<hbm>>
      %dma_wait3A_362 = tpu.memref_squeeze %dma_wait3A_361 : memref<1x56x1024xf32, #tpu.memory_space<hbm>> -> memref<56x1024xf32, #tpu.memory_space<hbm>>
      %dma_wait3A_363 = arith.constant 0 : i32
      %dma_wait3A_364 = tpu.memref_slice %arg7[%mul3A_359, %dma_wait3A_363] : memref<1920x1024xf32, #tpu.memory_space<vmem_shared>> -> memref<56x1024xf32, #tpu.memory_space<vmem_shared>>
      tpu.wait_dma2 semaphore(%arg9 : memref<!tpu.dma_semaphore, #tpu.memory_space<semaphore_mem>>) src(%dma_wait3A_364 : memref<56x1024xf32, #tpu.memory_space<vmem_shared>>) dst(%dma_wait3A_362 : memref<56x1024xf32, #tpu.memory_space<hbm>>)
    } else {
    }
    %eq3A_96 = arith.constant 7 : i32
    %eq3A_97 = arith.cmpi eq, %select_n3A_30, %eq3A_96 : i32
    %convert_element_type3A_98 = arith.extui %eq3A_97 : i1 to i32
    %cond3A_99 = arith.constant 0 : i32
    %cond3A_100 = arith.cmpi ne, %convert_element_type3A_98, %cond3A_99 : i32
    scf.if %cond3A_100 {
      %mul3A_101 = arith.constant 8 : i32
      %mul3A_102 = arith.muli %select_n3A_30, %mul3A_101 : i32
      %add3A_103 = arith.constant 0 : i32
      %add3A_104 = arith.addi %mul3A_102, %add3A_103 : i32
      %jit3A_105 = arith.constant 24 : i32
      %eq3A_106 = arith.constant 0 : i32
      %eq3A_107 = arith.cmpi eq, %jit3A_105, %eq3A_106 : i32
      %jit3A_108 = arith.constant 1 : i32
      %select_n3A_109 = arith.select %eq3A_107, %jit3A_108, %jit3A_105 : i32
      %rem3A_110 = arith.remsi %add3A_104, %select_n3A_109 : i32
      %ne3A_111 = arith.constant 0 : i32
      %ne3A_112 = arith.cmpi ne, %rem3A_110, %ne3A_111 : i32
      %lt3A_113 = arith.constant 0 : i32
      %lt3A_114 = arith.cmpi slt, %rem3A_110, %lt3A_113 : i32
      %lt3A_115 = arith.constant 0 : i32
      %lt3A_116 = arith.cmpi slt, %select_n3A_109, %lt3A_115 : i32
      %ne3A_117 = arith.xori %lt3A_114, %lt3A_116 : i1
      %and3A_118 = arith.andi %ne3A_117, %ne3A_112 : i1
      %add3A_119 = arith.addi %rem3A_110, %select_n3A_109 : i32
      %select_n3A_120 = arith.select %and3A_118, %add3A_119, %rem3A_110 : i32
      %mul3A_121 = arith.constant 616 : i32
      %mul3A_122 = arith.muli %select_n3A_30, %mul3A_121 : i32
      %add3A_123 = arith.addi %multiple_of3A, %mul3A_122 : i32
      %add3A_124 = arith.constant 0 : i32
      %add3A_125 = arith.addi %add3A_123, %add3A_124 : i32
      %multiple_of3A_126 = tpu.assume_multiple %add3A_125, 8 : i32
      %mul3A_127 = arith.constant 80 : i32
      %mul3A_128 = arith.muli %select_n3A_120, %mul3A_127 : i32
      %dma_wait3A_129 = arith.constant 0 : i32
      %dma_wait3A_130 = tpu.memref_slice %arg5[%add3A, %multiple_of3A_126, %dma_wait3A_129] : memref<4x8192x1024xf32, #tpu.memory_space<hbm>> -> memref<1x80x1024xf32, #tpu.memory_space<hbm>>
      %dma_wait3A_131 = tpu.memref_squeeze %dma_wait3A_130 : memref<1x80x1024xf32, #tpu.memory_space<hbm>> -> memref<80x1024xf32, #tpu.memory_space<hbm>>
      %dma_wait3A_132 = arith.constant 0 : i32
      %dma_wait3A_133 = tpu.memref_slice %arg7[%mul3A_128, %dma_wait3A_132] : memref<1920x1024xf32, #tpu.memory_space<vmem_shared>> -> memref<80x1024xf32, #tpu.memory_space<vmem_shared>>
      tpu.wait_dma2 semaphore(%arg9 : memref<!tpu.dma_semaphore, #tpu.memory_space<semaphore_mem>>) src(%dma_wait3A_133 : memref<80x1024xf32, #tpu.memory_space<vmem_shared>>) dst(%dma_wait3A_131 : memref<80x1024xf32, #tpu.memory_space<hbm>>)
      %mul3A_134 = arith.constant 8 : i32
      %mul3A_135 = arith.muli %select_n3A_30, %mul3A_134 : i32
      %add3A_136 = arith.constant 1 : i32
      %add3A_137 = arith.addi %mul3A_135, %add3A_136 : i32
      %jit3A_138 = arith.constant 24 : i32
      %eq3A_139 = arith.constant 0 : i32
      %eq3A_140 = arith.cmpi eq, %jit3A_138, %eq3A_139 : i32
      %jit3A_141 = arith.constant 1 : i32
      %select_n3A_142 = arith.select %eq3A_140, %jit3A_141, %jit3A_138 : i32
      %rem3A_143 = arith.remsi %add3A_137, %select_n3A_142 : i32
      %ne3A_144 = arith.constant 0 : i32
      %ne3A_145 = arith.cmpi ne, %rem3A_143, %ne3A_144 : i32
      %lt3A_146 = arith.constant 0 : i32
      %lt3A_147 = arith.cmpi slt, %rem3A_143, %lt3A_146 : i32
      %lt3A_148 = arith.constant 0 : i32
      %lt3A_149 = arith.cmpi slt, %select_n3A_142, %lt3A_148 : i32
      %ne3A_150 = arith.xori %lt3A_147, %lt3A_149 : i1
      %and3A_151 = arith.andi %ne3A_150, %ne3A_145 : i1
      %add3A_152 = arith.addi %rem3A_143, %select_n3A_142 : i32
      %select_n3A_153 = arith.select %and3A_151, %add3A_152, %rem3A_143 : i32
      %mul3A_154 = arith.constant 616 : i32
      %mul3A_155 = arith.muli %select_n3A_30, %mul3A_154 : i32
      %add3A_156 = arith.addi %multiple_of3A, %mul3A_155 : i32
      %add3A_157 = arith.constant 80 : i32
      %add3A_158 = arith.addi %add3A_156, %add3A_157 : i32
      %multiple_of3A_159 = tpu.assume_multiple %add3A_158, 8 : i32
      %mul3A_160 = arith.constant 80 : i32
      %mul3A_161 = arith.muli %select_n3A_153, %mul3A_160 : i32
      %dma_wait3A_162 = arith.constant 0 : i32
      %dma_wait3A_163 = tpu.memref_slice %arg5[%add3A, %multiple_of3A_159, %dma_wait3A_162] : memref<4x8192x1024xf32, #tpu.memory_space<hbm>> -> memref<1x80x1024xf32, #tpu.memory_space<hbm>>
      %dma_wait3A_164 = tpu.memref_squeeze %dma_wait3A_163 : memref<1x80x1024xf32, #tpu.memory_space<hbm>> -> memref<80x1024xf32, #tpu.memory_space<hbm>>
      %dma_wait3A_165 = arith.constant 0 : i32
      %dma_wait3A_166 = tpu.memref_slice %arg7[%mul3A_161, %dma_wait3A_165] : memref<1920x1024xf32, #tpu.memory_space<vmem_shared>> -> memref<80x1024xf32, #tpu.memory_space<vmem_shared>>
      tpu.wait_dma2 semaphore(%arg9 : memref<!tpu.dma_semaphore, #tpu.memory_space<semaphore_mem>>) src(%dma_wait3A_166 : memref<80x1024xf32, #tpu.memory_space<vmem_shared>>) dst(%dma_wait3A_164 : memref<80x1024xf32, #tpu.memory_space<hbm>>)
      %mul3A_167 = arith.constant 8 : i32
      %mul3A_168 = arith.muli %select_n3A_30, %mul3A_167 : i32
      %add3A_169 = arith.constant 2 : i32
      %add3A_170 = arith.addi %mul3A_168, %add3A_169 : i32
      %jit3A_171 = arith.constant 24 : i32
      %eq3A_172 = arith.constant 0 : i32
      %eq3A_173 = arith.cmpi eq, %jit3A_171, %eq3A_172 : i32
      %jit3A_174 = arith.constant 1 : i32
      %select_n3A_175 = arith.select %eq3A_173, %jit3A_174, %jit3A_171 : i32
      %rem3A_176 = arith.remsi %add3A_170, %select_n3A_175 : i32
      %ne3A_177 = arith.constant 0 : i32
      %ne3A_178 = arith.cmpi ne, %rem3A_176, %ne3A_177 : i32
      %lt3A_179 = arith.constant 0 : i32
      %lt3A_180 = arith.cmpi slt, %rem3A_176, %lt3A_179 : i32
      %lt3A_181 = arith.constant 0 : i32
      %lt3A_182 = arith.cmpi slt, %select_n3A_175, %lt3A_181 : i32
      %ne3A_183 = arith.xori %lt3A_180, %lt3A_182 : i1
      %and3A_184 = arith.andi %ne3A_183, %ne3A_178 : i1
      %add3A_185 = arith.addi %rem3A_176, %select_n3A_175 : i32
      %select_n3A_186 = arith.select %and3A_184, %add3A_185, %rem3A_176 : i32
      %mul3A_187 = arith.constant 616 : i32
      %mul3A_188 = arith.muli %select_n3A_30, %mul3A_187 : i32
      %add3A_189 = arith.addi %multiple_of3A, %mul3A_188 : i32
      %add3A_190 = arith.constant 160 : i32
      %add3A_191 = arith.addi %add3A_189, %add3A_190 : i32
      %multiple_of3A_192 = tpu.assume_multiple %add3A_191, 8 : i32
      %mul3A_193 = arith.constant 80 : i32
      %mul3A_194 = arith.muli %select_n3A_186, %mul3A_193 : i32
      %dma_wait3A_195 = arith.constant 0 : i32
      %dma_wait3A_196 = tpu.memref_slice %arg5[%add3A, %multiple_of3A_192, %dma_wait3A_195] : memref<4x8192x1024xf32, #tpu.memory_space<hbm>> -> memref<1x80x1024xf32, #tpu.memory_space<hbm>>
      %dma_wait3A_197 = tpu.memref_squeeze %dma_wait3A_196 : memref<1x80x1024xf32, #tpu.memory_space<hbm>> -> memref<80x1024xf32, #tpu.memory_space<hbm>>
      %dma_wait3A_198 = arith.constant 0 : i32
      %dma_wait3A_199 = tpu.memref_slice %arg7[%mul3A_194, %dma_wait3A_198] : memref<1920x1024xf32, #tpu.memory_space<vmem_shared>> -> memref<80x1024xf32, #tpu.memory_space<vmem_shared>>
      tpu.wait_dma2 semaphore(%arg9 : memref<!tpu.dma_semaphore, #tpu.memory_space<semaphore_mem>>) src(%dma_wait3A_199 : memref<80x1024xf32, #tpu.memory_space<vmem_shared>>) dst(%dma_wait3A_197 : memref<80x1024xf32, #tpu.memory_space<hbm>>)
      %mul3A_200 = arith.constant 8 : i32
      %mul3A_201 = arith.muli %select_n3A_30, %mul3A_200 : i32
      %add3A_202 = arith.constant 3 : i32
      %add3A_203 = arith.addi %mul3A_201, %add3A_202 : i32
      %jit3A_204 = arith.constant 24 : i32
      %eq3A_205 = arith.constant 0 : i32
      %eq3A_206 = arith.cmpi eq, %jit3A_204, %eq3A_205 : i32
      %jit3A_207 = arith.constant 1 : i32
      %select_n3A_208 = arith.select %eq3A_206, %jit3A_207, %jit3A_204 : i32
      %rem3A_209 = arith.remsi %add3A_203, %select_n3A_208 : i32
      %ne3A_210 = arith.constant 0 : i32
      %ne3A_211 = arith.cmpi ne, %rem3A_209, %ne3A_210 : i32
      %lt3A_212 = arith.constant 0 : i32
      %lt3A_213 = arith.cmpi slt, %rem3A_209, %lt3A_212 : i32
      %lt3A_214 = arith.constant 0 : i32
      %lt3A_215 = arith.cmpi slt, %select_n3A_208, %lt3A_214 : i32
      %ne3A_216 = arith.xori %lt3A_213, %lt3A_215 : i1
      %and3A_217 = arith.andi %ne3A_216, %ne3A_211 : i1
      %add3A_218 = arith.addi %rem3A_209, %select_n3A_208 : i32
      %select_n3A_219 = arith.select %and3A_217, %add3A_218, %rem3A_209 : i32
      %mul3A_220 = arith.constant 616 : i32
      %mul3A_221 = arith.muli %select_n3A_30, %mul3A_220 : i32
      %add3A_222 = arith.addi %multiple_of3A, %mul3A_221 : i32
      %add3A_223 = arith.constant 240 : i32
      %add3A_224 = arith.addi %add3A_222, %add3A_223 : i32
      %multiple_of3A_225 = tpu.assume_multiple %add3A_224, 8 : i32
      %mul3A_226 = arith.constant 80 : i32
      %mul3A_227 = arith.muli %select_n3A_219, %mul3A_226 : i32
      %dma_wait3A_228 = arith.constant 0 : i32
      %dma_wait3A_229 = tpu.memref_slice %arg5[%add3A, %multiple_of3A_225, %dma_wait3A_228] : memref<4x8192x1024xf32, #tpu.memory_space<hbm>> -> memref<1x80x1024xf32, #tpu.memory_space<hbm>>
      %dma_wait3A_230 = tpu.memref_squeeze %dma_wait3A_229 : memref<1x80x1024xf32, #tpu.memory_space<hbm>> -> memref<80x1024xf32, #tpu.memory_space<hbm>>
      %dma_wait3A_231 = arith.constant 0 : i32
      %dma_wait3A_232 = tpu.memref_slice %arg7[%mul3A_227, %dma_wait3A_231] : memref<1920x1024xf32, #tpu.memory_space<vmem_shared>> -> memref<80x1024xf32, #tpu.memory_space<vmem_shared>>
      tpu.wait_dma2 semaphore(%arg9 : memref<!tpu.dma_semaphore, #tpu.memory_space<semaphore_mem>>) src(%dma_wait3A_232 : memref<80x1024xf32, #tpu.memory_space<vmem_shared>>) dst(%dma_wait3A_230 : memref<80x1024xf32, #tpu.memory_space<hbm>>)
      %mul3A_233 = arith.constant 8 : i32
      %mul3A_234 = arith.muli %select_n3A_30, %mul3A_233 : i32
      %add3A_235 = arith.constant 4 : i32
      %add3A_236 = arith.addi %mul3A_234, %add3A_235 : i32
      %jit3A_237 = arith.constant 24 : i32
      %eq3A_238 = arith.constant 0 : i32
      %eq3A_239 = arith.cmpi eq, %jit3A_237, %eq3A_238 : i32
      %jit3A_240 = arith.constant 1 : i32
      %select_n3A_241 = arith.select %eq3A_239, %jit3A_240, %jit3A_237 : i32
      %rem3A_242 = arith.remsi %add3A_236, %select_n3A_241 : i32
      %ne3A_243 = arith.constant 0 : i32
      %ne3A_244 = arith.cmpi ne, %rem3A_242, %ne3A_243 : i32
      %lt3A_245 = arith.constant 0 : i32
      %lt3A_246 = arith.cmpi slt, %rem3A_242, %lt3A_245 : i32
      %lt3A_247 = arith.constant 0 : i32
      %lt3A_248 = arith.cmpi slt, %select_n3A_241, %lt3A_247 : i32
      %ne3A_249 = arith.xori %lt3A_246, %lt3A_248 : i1
      %and3A_250 = arith.andi %ne3A_249, %ne3A_244 : i1
      %add3A_251 = arith.addi %rem3A_242, %select_n3A_241 : i32
      %select_n3A_252 = arith.select %and3A_250, %add3A_251, %rem3A_242 : i32
      %mul3A_253 = arith.constant 616 : i32
      %mul3A_254 = arith.muli %select_n3A_30, %mul3A_253 : i32
      %add3A_255 = arith.addi %multiple_of3A, %mul3A_254 : i32
      %add3A_256 = arith.constant 320 : i32
      %add3A_257 = arith.addi %add3A_255, %add3A_256 : i32
      %multiple_of3A_258 = tpu.assume_multiple %add3A_257, 8 : i32
      %mul3A_259 = arith.constant 80 : i32
      %mul3A_260 = arith.muli %select_n3A_252, %mul3A_259 : i32
      %dma_wait3A_261 = arith.constant 0 : i32
      %dma_wait3A_262 = tpu.memref_slice %arg5[%add3A, %multiple_of3A_258, %dma_wait3A_261] : memref<4x8192x1024xf32, #tpu.memory_space<hbm>> -> memref<1x80x1024xf32, #tpu.memory_space<hbm>>
      %dma_wait3A_263 = tpu.memref_squeeze %dma_wait3A_262 : memref<1x80x1024xf32, #tpu.memory_space<hbm>> -> memref<80x1024xf32, #tpu.memory_space<hbm>>
      %dma_wait3A_264 = arith.constant 0 : i32
      %dma_wait3A_265 = tpu.memref_slice %arg7[%mul3A_260, %dma_wait3A_264] : memref<1920x1024xf32, #tpu.memory_space<vmem_shared>> -> memref<80x1024xf32, #tpu.memory_space<vmem_shared>>
      tpu.wait_dma2 semaphore(%arg9 : memref<!tpu.dma_semaphore, #tpu.memory_space<semaphore_mem>>) src(%dma_wait3A_265 : memref<80x1024xf32, #tpu.memory_space<vmem_shared>>) dst(%dma_wait3A_263 : memref<80x1024xf32, #tpu.memory_space<hbm>>)
      %mul3A_266 = arith.constant 8 : i32
      %mul3A_267 = arith.muli %select_n3A_30, %mul3A_266 : i32
      %add3A_268 = arith.constant 5 : i32
      %add3A_269 = arith.addi %mul3A_267, %add3A_268 : i32
      %jit3A_270 = arith.constant 24 : i32
      %eq3A_271 = arith.constant 0 : i32
      %eq3A_272 = arith.cmpi eq, %jit3A_270, %eq3A_271 : i32
      %jit3A_273 = arith.constant 1 : i32
      %select_n3A_274 = arith.select %eq3A_272, %jit3A_273, %jit3A_270 : i32
      %rem3A_275 = arith.remsi %add3A_269, %select_n3A_274 : i32
      %ne3A_276 = arith.constant 0 : i32
      %ne3A_277 = arith.cmpi ne, %rem3A_275, %ne3A_276 : i32
      %lt3A_278 = arith.constant 0 : i32
      %lt3A_279 = arith.cmpi slt, %rem3A_275, %lt3A_278 : i32
      %lt3A_280 = arith.constant 0 : i32
      %lt3A_281 = arith.cmpi slt, %select_n3A_274, %lt3A_280 : i32
      %ne3A_282 = arith.xori %lt3A_279, %lt3A_281 : i1
      %and3A_283 = arith.andi %ne3A_282, %ne3A_277 : i1
      %add3A_284 = arith.addi %rem3A_275, %select_n3A_274 : i32
      %select_n3A_285 = arith.select %and3A_283, %add3A_284, %rem3A_275 : i32
      %mul3A_286 = arith.constant 616 : i32
      %mul3A_287 = arith.muli %select_n3A_30, %mul3A_286 : i32
      %add3A_288 = arith.addi %multiple_of3A, %mul3A_287 : i32
      %add3A_289 = arith.constant 400 : i32
      %add3A_290 = arith.addi %add3A_288, %add3A_289 : i32
      %multiple_of3A_291 = tpu.assume_multiple %add3A_290, 8 : i32
      %mul3A_292 = arith.constant 80 : i32
      %mul3A_293 = arith.muli %select_n3A_285, %mul3A_292 : i32
      %dma_wait3A_294 = arith.constant 0 : i32
      %dma_wait3A_295 = tpu.memref_slice %arg5[%add3A, %multiple_of3A_291, %dma_wait3A_294] : memref<4x8192x1024xf32, #tpu.memory_space<hbm>> -> memref<1x80x1024xf32, #tpu.memory_space<hbm>>
      %dma_wait3A_296 = tpu.memref_squeeze %dma_wait3A_295 : memref<1x80x1024xf32, #tpu.memory_space<hbm>> -> memref<80x1024xf32, #tpu.memory_space<hbm>>
      %dma_wait3A_297 = arith.constant 0 : i32
      %dma_wait3A_298 = tpu.memref_slice %arg7[%mul3A_293, %dma_wait3A_297] : memref<1920x1024xf32, #tpu.memory_space<vmem_shared>> -> memref<80x1024xf32, #tpu.memory_space<vmem_shared>>
      tpu.wait_dma2 semaphore(%arg9 : memref<!tpu.dma_semaphore, #tpu.memory_space<semaphore_mem>>) src(%dma_wait3A_298 : memref<80x1024xf32, #tpu.memory_space<vmem_shared>>) dst(%dma_wait3A_296 : memref<80x1024xf32, #tpu.memory_space<hbm>>)
      %mul3A_299 = arith.constant 8 : i32
      %mul3A_300 = arith.muli %select_n3A_30, %mul3A_299 : i32
      %add3A_301 = arith.constant 6 : i32
      %add3A_302 = arith.addi %mul3A_300, %add3A_301 : i32
      %jit3A_303 = arith.constant 24 : i32
      %eq3A_304 = arith.constant 0 : i32
      %eq3A_305 = arith.cmpi eq, %jit3A_303, %eq3A_304 : i32
      %jit3A_306 = arith.constant 1 : i32
      %select_n3A_307 = arith.select %eq3A_305, %jit3A_306, %jit3A_303 : i32
      %rem3A_308 = arith.remsi %add3A_302, %select_n3A_307 : i32
      %ne3A_309 = arith.constant 0 : i32
      %ne3A_310 = arith.cmpi ne, %rem3A_308, %ne3A_309 : i32
      %lt3A_311 = arith.constant 0 : i32
      %lt3A_312 = arith.cmpi slt, %rem3A_308, %lt3A_311 : i32
      %lt3A_313 = arith.constant 0 : i32
      %lt3A_314 = arith.cmpi slt, %select_n3A_307, %lt3A_313 : i32
      %ne3A_315 = arith.xori %lt3A_312, %lt3A_314 : i1
      %and3A_316 = arith.andi %ne3A_315, %ne3A_310 : i1
      %add3A_317 = arith.addi %rem3A_308, %select_n3A_307 : i32
      %select_n3A_318 = arith.select %and3A_316, %add3A_317, %rem3A_308 : i32
      %mul3A_319 = arith.constant 616 : i32
      %mul3A_320 = arith.muli %select_n3A_30, %mul3A_319 : i32
      %add3A_321 = arith.addi %multiple_of3A, %mul3A_320 : i32
      %add3A_322 = arith.constant 480 : i32
      %add3A_323 = arith.addi %add3A_321, %add3A_322 : i32
      %multiple_of3A_324 = tpu.assume_multiple %add3A_323, 8 : i32
      %mul3A_325 = arith.constant 80 : i32
      %mul3A_326 = arith.muli %select_n3A_318, %mul3A_325 : i32
      %dma_wait3A_327 = arith.constant 0 : i32
      %dma_wait3A_328 = tpu.memref_slice %arg5[%add3A, %multiple_of3A_324, %dma_wait3A_327] : memref<4x8192x1024xf32, #tpu.memory_space<hbm>> -> memref<1x80x1024xf32, #tpu.memory_space<hbm>>
      %dma_wait3A_329 = tpu.memref_squeeze %dma_wait3A_328 : memref<1x80x1024xf32, #tpu.memory_space<hbm>> -> memref<80x1024xf32, #tpu.memory_space<hbm>>
      %dma_wait3A_330 = arith.constant 0 : i32
      %dma_wait3A_331 = tpu.memref_slice %arg7[%mul3A_326, %dma_wait3A_330] : memref<1920x1024xf32, #tpu.memory_space<vmem_shared>> -> memref<80x1024xf32, #tpu.memory_space<vmem_shared>>
      tpu.wait_dma2 semaphore(%arg9 : memref<!tpu.dma_semaphore, #tpu.memory_space<semaphore_mem>>) src(%dma_wait3A_331 : memref<80x1024xf32, #tpu.memory_space<vmem_shared>>) dst(%dma_wait3A_329 : memref<80x1024xf32, #tpu.memory_space<hbm>>)
      %mul3A_332 = arith.constant 8 : i32
      %mul3A_333 = arith.muli %select_n3A_30, %mul3A_332 : i32
      %add3A_334 = arith.constant 7 : i32
      %add3A_335 = arith.addi %mul3A_333, %add3A_334 : i32
      %jit3A_336 = arith.constant 24 : i32
      %eq3A_337 = arith.constant 0 : i32
      %eq3A_338 = arith.cmpi eq, %jit3A_336, %eq3A_337 : i32
      %jit3A_339 = arith.constant 1 : i32
      %select_n3A_340 = arith.select %eq3A_338, %jit3A_339, %jit3A_336 : i32
      %rem3A_341 = arith.remsi %add3A_335, %select_n3A_340 : i32
      %ne3A_342 = arith.constant 0 : i32
      %ne3A_343 = arith.cmpi ne, %rem3A_341, %ne3A_342 : i32
      %lt3A_344 = arith.constant 0 : i32
      %lt3A_345 = arith.cmpi slt, %rem3A_341, %lt3A_344 : i32
      %lt3A_346 = arith.constant 0 : i32
      %lt3A_347 = arith.cmpi slt, %select_n3A_340, %lt3A_346 : i32
      %ne3A_348 = arith.xori %lt3A_345, %lt3A_347 : i1
      %and3A_349 = arith.andi %ne3A_348, %ne3A_343 : i1
      %add3A_350 = arith.addi %rem3A_341, %select_n3A_340 : i32
      %select_n3A_351 = arith.select %and3A_349, %add3A_350, %rem3A_341 : i32
      %mul3A_352 = arith.constant 616 : i32
      %mul3A_353 = arith.muli %select_n3A_30, %mul3A_352 : i32
      %add3A_354 = arith.addi %multiple_of3A, %mul3A_353 : i32
      %add3A_355 = arith.constant 560 : i32
      %add3A_356 = arith.addi %add3A_354, %add3A_355 : i32
      %multiple_of3A_357 = tpu.assume_multiple %add3A_356, 8 : i32
      %mul3A_358 = arith.constant 80 : i32
      %mul3A_359 = arith.muli %select_n3A_351, %mul3A_358 : i32
      %dma_wait3A_360 = arith.constant 0 : i32
      %dma_wait3A_361 = tpu.memref_slice %arg5[%add3A, %multiple_of3A_357, %dma_wait3A_360] : memref<4x8192x1024xf32, #tpu.memory_space<hbm>> -> memref<1x32x1024xf32, #tpu.memory_space<hbm>>
      %dma_wait3A_362 = tpu.memref_squeeze %dma_wait3A_361 : memref<1x32x1024xf32, #tpu.memory_space<hbm>> -> memref<32x1024xf32, #tpu.memory_space<hbm>>
      %dma_wait3A_363 = arith.constant 0 : i32
      %dma_wait3A_364 = tpu.memref_slice %arg7[%mul3A_359, %dma_wait3A_363] : memref<1920x1024xf32, #tpu.memory_space<vmem_shared>> -> memref<32x1024xf32, #tpu.memory_space<vmem_shared>>
      tpu.wait_dma2 semaphore(%arg9 : memref<!tpu.dma_semaphore, #tpu.memory_space<semaphore_mem>>) src(%dma_wait3A_364 : memref<32x1024xf32, #tpu.memory_space<vmem_shared>>) dst(%dma_wait3A_362 : memref<32x1024xf32, #tpu.memory_space<hbm>>)
      %add3A_365 = arith.constant 4915 : i32
      %add3A_366 = arith.addi %select_n3A_59, %add3A_365 : i32
      %and3A_367 = arith.constant -8 : i32
      %and3A_368 = arith.andi %add3A_366, %and3A_367 : i32
      %sub3A_369 = arith.subi %and3A_368, %multiple_of3A : i32
      %gt3A_370 = arith.constant 4904 : i32
      %gt3A_371 = arith.cmpi sgt, %sub3A_369, %gt3A_370 : i32
      %convert_element_type3A_372 = arith.extui %gt3A_371 : i1 to i32
      %cond3A_373 = arith.constant 0 : i32
      %cond3A_374 = arith.cmpi ne, %convert_element_type3A_372, %cond3A_373 : i32
      scf.if %cond3A_374 {
        %add3A_375 = arith.constant 4904 : i32
        %add3A_376 = arith.addi %multiple_of3A, %add3A_375 : i32
        %multiple_of3A_377 = tpu.assume_multiple %add3A_376, 8 : i32
        %dma_wait3A_378 = arith.constant 0 : i32
        %dma_wait3A_379 = tpu.memref_slice %arg5[%add3A, %multiple_of3A_377, %dma_wait3A_378] : memref<4x8192x1024xf32, #tpu.memory_space<hbm>> -> memref<1x8x1024xf32, #tpu.memory_space<hbm>>
        %dma_wait3A_380 = tpu.memref_squeeze %dma_wait3A_379 : memref<1x8x1024xf32, #tpu.memory_space<hbm>> -> memref<8x1024xf32, #tpu.memory_space<hbm>>
        %dma_wait3A_381 = arith.constant 0 : i32
        %dma_wait3A_382 = arith.constant 0 : i32
        %dma_wait3A_383 = tpu.memref_slice %arg7[%dma_wait3A_381, %dma_wait3A_382] : memref<1920x1024xf32, #tpu.memory_space<vmem_shared>> -> memref<8x1024xf32, #tpu.memory_space<vmem_shared>>
        tpu.wait_dma2 semaphore(%arg9 : memref<!tpu.dma_semaphore, #tpu.memory_space<semaphore_mem>>) src(%dma_wait3A_383 : memref<8x1024xf32, #tpu.memory_space<vmem_shared>>) dst(%dma_wait3A_380 : memref<8x1024xf32, #tpu.memory_space<hbm>>)
      } else {
      }
    } else {
    }
    return
  }
}

module attributes {stable_mosaic.version = 14 : i64} {
  func.func @_mask_body(%arg0: memref<4xi32, #tpu.memory_space<smem>>, %arg1: memref<4x8192xi32, #tpu.memory_space<vmem>>) attributes {dimension_semantics = [], scalar_prefetch = 0 : i64, scratch_operands = 0 : i64, tpu.core_type = #tpu.core_type<tc>} {
    %iota3A = tpu.iota {dimensions = array<i32: 1>} : vector<1x8192xi32>
    %get3A = arith.constant 0 : index
    %get3A_0 = memref.load %arg0[%get3A] : memref<4xi32, #tpu.memory_space<smem>>
    %ge3A = vector.broadcast %get3A_0 : i32 to vector<1x8192xi32>
    %ge3A_1 = arith.cmpi sge, %iota3A, %ge3A : vector<1x8192xi32>
    %add3A = arith.constant 4915 : i32
    %add3A_2 = arith.addi %get3A_0, %add3A : i32
    %lt3A = vector.broadcast %add3A_2 : i32 to vector<1x8192xi32>
    %lt3A_3 = arith.cmpi slt, %iota3A, %lt3A : vector<1x8192xi32>
    %and3A = arith.andi %ge3A_1, %lt3A_3 : vector<1x8192xi1>
    %swap3A = arith.constant 0 : index
    %swap3A_4 = arith.constant 0 : index
    %swap3A_5 = vector.load %arg1[%swap3A, %swap3A_4] : memref<4x8192xi32, #tpu.memory_space<vmem>>, vector<1x8192xi32>
    %swap3A_6 = arith.extui %and3A : vector<1x8192xi1> to vector<1x8192xi32>
    %swap3A_7 = arith.constant dense<0> : vector<1x8192xi32>
    %swap3A_8 = arith.cmpi ne, %swap3A_5, %swap3A_7 : vector<1x8192xi32>
    tpu.vector_store %arg1[%swap3A, %swap3A_4], %swap3A_6 {strides = array<i32>} : memref<4x8192xi32, #tpu.memory_space<vmem>>, vector<1x8192xi32>,
    %get3A_9 = arith.constant 1 : index
    %get3A_10 = memref.load %arg0[%get3A_9] : memref<4xi32, #tpu.memory_space<smem>>
    %ge3A_11 = vector.broadcast %get3A_10 : i32 to vector<1x8192xi32>
    %ge3A_12 = arith.cmpi sge, %iota3A, %ge3A_11 : vector<1x8192xi32>
    %add3A_13 = arith.constant 4915 : i32
    %add3A_14 = arith.addi %get3A_10, %add3A_13 : i32
    %lt3A_15 = vector.broadcast %add3A_14 : i32 to vector<1x8192xi32>
    %lt3A_16 = arith.cmpi slt, %iota3A, %lt3A_15 : vector<1x8192xi32>
    %and3A_17 = arith.andi %ge3A_12, %lt3A_16 : vector<1x8192xi1>
    %swap3A_18 = arith.constant 1 : index
    %swap3A_19 = arith.constant 0 : index
    %swap3A_20 = vector.load %arg1[%swap3A_18, %swap3A_19] : memref<4x8192xi32, #tpu.memory_space<vmem>>, vector<1x8192xi32>
    %swap3A_21 = arith.extui %and3A_17 : vector<1x8192xi1> to vector<1x8192xi32>
    %swap3A_22 = arith.constant dense<0> : vector<1x8192xi32>
    %swap3A_23 = arith.cmpi ne, %swap3A_20, %swap3A_22 : vector<1x8192xi32>
    tpu.vector_store %arg1[%swap3A_18, %swap3A_19], %swap3A_21 {strides = array<i32>} : memref<4x8192xi32, #tpu.memory_space<vmem>>, vector<1x8192xi32>,
    %get3A_24 = arith.constant 2 : index
    %get3A_25 = memref.load %arg0[%get3A_24] : memref<4xi32, #tpu.memory_space<smem>>
    %ge3A_26 = vector.broadcast %get3A_25 : i32 to vector<1x8192xi32>
    %ge3A_27 = arith.cmpi sge, %iota3A, %ge3A_26 : vector<1x8192xi32>
    %add3A_28 = arith.constant 4915 : i32
    %add3A_29 = arith.addi %get3A_25, %add3A_28 : i32
    %lt3A_30 = vector.broadcast %add3A_29 : i32 to vector<1x8192xi32>
    %lt3A_31 = arith.cmpi slt, %iota3A, %lt3A_30 : vector<1x8192xi32>
    %and3A_32 = arith.andi %ge3A_27, %lt3A_31 : vector<1x8192xi1>
    %swap3A_33 = arith.constant 2 : index
    %swap3A_34 = arith.constant 0 : index
    %swap3A_35 = vector.load %arg1[%swap3A_33, %swap3A_34] : memref<4x8192xi32, #tpu.memory_space<vmem>>, vector<1x8192xi32>
    %swap3A_36 = arith.extui %and3A_32 : vector<1x8192xi1> to vector<1x8192xi32>
    %swap3A_37 = arith.constant dense<0> : vector<1x8192xi32>
    %swap3A_38 = arith.cmpi ne, %swap3A_35, %swap3A_37 : vector<1x8192xi32>
    tpu.vector_store %arg1[%swap3A_33, %swap3A_34], %swap3A_36 {strides = array<i32>} : memref<4x8192xi32, #tpu.memory_space<vmem>>, vector<1x8192xi32>,
    %get3A_39 = arith.constant 3 : index
    %get3A_40 = memref.load %arg0[%get3A_39] : memref<4xi32, #tpu.memory_space<smem>>
    %ge3A_41 = vector.broadcast %get3A_40 : i32 to vector<1x8192xi32>
    %ge3A_42 = arith.cmpi sge, %iota3A, %ge3A_41 : vector<1x8192xi32>
    %add3A_43 = arith.constant 4915 : i32
    %add3A_44 = arith.addi %get3A_40, %add3A_43 : i32
    %lt3A_45 = vector.broadcast %add3A_44 : i32 to vector<1x8192xi32>
    %lt3A_46 = arith.cmpi slt, %iota3A, %lt3A_45 : vector<1x8192xi32>
    %and3A_47 = arith.andi %ge3A_42, %lt3A_46 : vector<1x8192xi1>
    %swap3A_48 = arith.constant 3 : index
    %swap3A_49 = arith.constant 0 : index
    %swap3A_50 = vector.load %arg1[%swap3A_48, %swap3A_49] : memref<4x8192xi32, #tpu.memory_space<vmem>>, vector<1x8192xi32>
    %swap3A_51 = arith.extui %and3A_47 : vector<1x8192xi1> to vector<1x8192xi32>
    %swap3A_52 = arith.constant dense<0> : vector<1x8192xi32>
    %swap3A_53 = arith.cmpi ne, %swap3A_50, %swap3A_52 : vector<1x8192xi32>
    tpu.vector_store %arg1[%swap3A_48, %swap3A_49], %swap3A_51 {strides = array<i32>} : memref<4x8192xi32, #tpu.memory_space<vmem>>, vector<1x8192xi32>,
    return
  }
}

module attributes {stable_mosaic.version = 14 : i64} {
  func.func @_patch_body(%arg0: i32, %arg1: i32, %arg2: memref<4xi32, #tpu.memory_space<smem>>, %arg3: memref<4x8192x1024xf32, #tpu.memory_space<any>>, %arg4: memref<1x8x1024xf32, #tpu.memory_space<vmem>>, %arg5: memref<1x1024xf32, #tpu.memory_space<vmem>>, %arg6: memref<1x8x1024xf32, #tpu.memory_space<vmem>>) attributes {dimension_semantics = [#tpu.dimension_semantics<arbitrary>, #tpu.dimension_semantics<arbitrary>], iteration_bounds = array<i64: 4, 2>, scalar_prefetch = 1 : i64, scratch_operands = 0 : i64, tpu.core_type = #tpu.core_type<tc>, window_params = [{}, {transform_indices = @transform_1, window_bounds = array<i64: 1, 8, 1024>}, {pipeline_mode = #tpu.pipeline_mode<synchronous>, transform_indices = @transform_2, window_bounds = array<i64: 1, 1024>}, {transform_indices = @transform_3, window_bounds = array<i64: 1, 8, 1024>}]} {
    %get3A = arith.index_cast %arg0 : i32 to index
    %get3A_0 = memref.load %arg2[%get3A] : memref<4xi32, #tpu.memory_space<smem>>
    %eq3A = arith.constant 0 : i32
    %eq3A_1 = arith.cmpi eq, %arg1, %eq3A : i32
    %shift_right_arithmetic3A = arith.constant 3 : i32
    %shift_right_arithmetic3A_2 = arith.shrsi %get3A_0, %shift_right_arithmetic3A : i32
    %add3A = arith.constant 4915 : i32
    %add3A_3 = arith.addi %get3A_0, %add3A : i32
    %shift_right_arithmetic3A_4 = arith.constant 3 : i32
    %shift_right_arithmetic3A_5 = arith.shrsi %add3A_3, %shift_right_arithmetic3A_4 : i32
    %select_n3A = arith.select %eq3A_1, %shift_right_arithmetic3A_2, %shift_right_arithmetic3A_5 : i32
    %mul3A = arith.constant 8 : i32
    %mul3A_6 = arith.muli %select_n3A, %mul3A : i32
    %iota3A = tpu.iota {dimensions = array<i32: 0>} : vector<8x1xi32>
    %add3A_7 = vector.broadcast %mul3A_6 : i32 to vector<8x1xi32>
    %add3A_8 = arith.addi %add3A_7, %iota3A : vector<8x1xi32>
    %ge3A = vector.broadcast %get3A_0 : i32 to vector<8x1xi32>
    %ge3A_9 = arith.cmpi sge, %add3A_8, %ge3A : vector<8x1xi32>
    %add3A_10 = arith.constant 4915 : i32
    %add3A_11 = arith.addi %get3A_0, %add3A_10 : i32
    %lt3A = vector.broadcast %add3A_11 : i32 to vector<8x1xi32>
    %lt3A_12 = arith.cmpi slt, %add3A_8, %lt3A : vector<8x1xi32>
    %and3A = arith.andi %ge3A_9, %lt3A_12 : vector<8x1xi1>
    %get3A_13 = arith.constant 0 : index
    %get3A_14 = arith.constant 0 : index
    %get3A_15 = vector.load %arg5[%get3A_13, %get3A_14] : memref<1x1024xf32, #tpu.memory_space<vmem>>, vector<1x1024xf32>
    %get3A_16 = vector.shape_cast %get3A_15 : vector<1x1024xf32> to vector<1024xf32>
    %broadcast_in_dim3A = vector.shape_cast %get3A_16 : vector<1024xf32> to vector<1x1024xf32>
    %get3A_17 = arith.constant 0 : index
    %get3A_18 = arith.constant 0 : index
    %get3A_19 = arith.constant 0 : index
    %get3A_20 = vector.load %arg4[%get3A_17, %get3A_18, %get3A_19] : memref<1x8x1024xf32, #tpu.memory_space<vmem>>, vector<1x8x1024xf32>
    %get3A_21 = vector.shape_cast %get3A_20 : vector<1x8x1024xf32> to vector<8x1024xf32>
    %broadcast_in_dim3A_22 = vector.shape_cast %and3A : vector<8x1xi1> to vector<8x1xi1>
    %broadcast_in_dim3A_23 = vector.broadcast %broadcast_in_dim3A_22 : vector<8x1xi1> to vector<8x1024xi1>
    %broadcast_in_dim3A_24 = vector.shape_cast %broadcast_in_dim3A : vector<1x1024xf32> to vector<1x1024xf32>
    %broadcast_in_dim3A_25 = vector.broadcast %broadcast_in_dim3A_24 : vector<1x1024xf32> to vector<8x1024xf32>
    %select_n3A_26 = arith.select %broadcast_in_dim3A_23, %broadcast_in_dim3A_25, %get3A_21 : vector<8x1024xi1>, vector<8x1024xf32>
    %swap3A = arith.constant 0 : index
    %swap3A_27 = arith.constant 0 : index
    %swap3A_28 = arith.constant 0 : index
    %swap3A_29 = vector.load %arg6[%swap3A, %swap3A_27, %swap3A_28] : memref<1x8x1024xf32, #tpu.memory_space<vmem>>, vector<1x8x1024xf32>
    %swap3A_30 = vector.shape_cast %swap3A_29 : vector<1x8x1024xf32> to vector<8x1024xf32>
    %swap3A_31 = vector.shape_cast %select_n3A_26 : vector<8x1024xf32> to vector<1x8x1024xf32>
    tpu.vector_store %arg6[%swap3A, %swap3A_27, %swap3A_28], %swap3A_31 {strides = array<i32>} : memref<1x8x1024xf32, #tpu.memory_space<vmem>>, vector<1x8x1024xf32>,
    return
  }
  func.func @transform_1(%arg0: i32, %arg1: i32, %arg2: memref<4xi32, #tpu.memory_space<smem>>) -> (i32, i32, i32) {
    %eq3A = arith.constant 0 : i32
    %eq3A_0 = arith.cmpi eq, %arg1, %eq3A : i32
    %get3A = arith.index_cast %arg0 : i32 to index
    %get3A_1 = memref.load %arg2[%get3A] : memref<4xi32, #tpu.memory_space<smem>>
    %shift_right_arithmetic3A = arith.constant 3 : i32
    %shift_right_arithmetic3A_2 = arith.shrsi %get3A_1, %shift_right_arithmetic3A : i32
    %get3A_3 = arith.index_cast %arg0 : i32 to index
    %get3A_4 = memref.load %arg2[%get3A_3] : memref<4xi32, #tpu.memory_space<smem>>
    %add3A = arith.constant 4915 : i32
    %add3A_5 = arith.addi %get3A_4, %add3A : i32
    %shift_right_arithmetic3A_6 = arith.constant 3 : i32
    %shift_right_arithmetic3A_7 = arith.shrsi %add3A_5, %shift_right_arithmetic3A_6 : i32
    %select_n3A = arith.select %eq3A_0, %shift_right_arithmetic3A_2, %shift_right_arithmetic3A_7 : i32
    %c0_i32 = arith.constant 0 : i32
    %c0_i32_8 = arith.constant 0 : i32
    return %arg0, %select_n3A, %c0_i32 : i32, i32, i32
  }
  func.func @transform_2(%arg0: i32, %arg1: i32, %arg2: memref<4xi32, #tpu.memory_space<smem>>) -> (i32, i32) {
    %c0_i32 = arith.constant 0 : i32
    %c0_i32_0 = arith.constant 0 : i32
    %c0_i32_1 = arith.constant 0 : i32
    return %c0_i32, %c0_i32_0 : i32, i32
  }
  func.func @transform_3(%arg0: i32, %arg1: i32, %arg2: memref<4xi32, #tpu.memory_space<smem>>) -> (i32, i32, i32) {
    %eq3A = arith.constant 0 : i32
    %eq3A_0 = arith.cmpi eq, %arg1, %eq3A : i32
    %get3A = arith.index_cast %arg0 : i32 to index
    %get3A_1 = memref.load %arg2[%get3A] : memref<4xi32, #tpu.memory_space<smem>>
    %shift_right_arithmetic3A = arith.constant 3 : i32
    %shift_right_arithmetic3A_2 = arith.shrsi %get3A_1, %shift_right_arithmetic3A : i32
    %get3A_3 = arith.index_cast %arg0 : i32 to index
    %get3A_4 = memref.load %arg2[%get3A_3] : memref<4xi32, #tpu.memory_space<smem>>
    %add3A = arith.constant 4915 : i32
    %add3A_5 = arith.addi %get3A_4, %add3A : i32
    %shift_right_arithmetic3A_6 = arith.constant 3 : i32
    %shift_right_arithmetic3A_7 = arith.shrsi %add3A_5, %shift_right_arithmetic3A_6 : i32
    %select_n3A = arith.select %eq3A_0, %shift_right_arithmetic3A_2, %shift_right_arithmetic3A_7 : i32
    %c0_i32 = arith.constant 0 : i32
    %c0_i32_8 = arith.constant 0 : i32
    return %arg0, %select_n3A, %c0_i32 : i32, i32, i32
  }
}

</mosaic_0001>

<sc_bundles>
// kernel: kernel.5.cloned.1.call-start
scs
__scs_entry_jumppad:
0x0: {  	(pc) =	sbr.rel $0x88, $3  }
0x1: {  	(tag) =	ssettag $0x0;
	lr =	simm.s32 $0x1  }
0x2: {  	[smem:$0x3F9E] =	sst lr;
	_ =	strace $0xD0000000  }
0x3: {  	_ = 	snop  }
0x4: {  	_ = 	snop  }
0x5: {  	_ = 	snop  }
0x6: {  	_ = 	snop  }
0x7: {  	_ = 	snop  }
__scs_overlays_trampoline_lowered:
0x8: {  	[smem:$0x3FAD] =	sst s0  }
0x9: {  	[smem:$0x3FAE] =	sst s1  }
0xa: {  	[smem:$0x3FAF] =	sst s2  }
0xb: {  	[smem:$0x3FB0] =	sst s3  }
0xc: {  	[smem:$0x3FB1] =	sst s4  }
0xd: {  	[smem:$0x3FB2] =	sst s5  }
0xe: {  	[smem:$0x3FB3] =	sst s6  }
0xf: {  	[smem:$0x3FB4] =	sst s7  }
0x10: {  	[smem:$0x3FB5] =	sst s8  }
0x11: {  	[smem:$0x3FB6] =	sst s9;
	s0 =	simm.s32 @!p0 $0x0  }
0x12: {  	s1 =	sld [smem:$0x3F9C];
	s0 =	simm.s32 @p0 $0x1  }
0x13: {  	[smem:$0x3FB7] =	sst s0;
	s0 =	simm.s32 @!p1 $0x0  }
0x14: {  	s2 =	sld [smem:$0x3F9B];
	s0 =	simm.s32 @p1 $0x1  }
0x15: {  	[smem:$0x3FB8] =	sst s0;
	s0 =	simm.s32 @!p2 $0x0  }
0x16: {  	s3 =	sld [smem:$0x3FDB];
	s0 =	simm.s32 @p2 $0x1  }
0x17: {  	s4 =	simm.s32 $0x1BF5;
	[smem:$0x3FBA] =	sst s0  }
0x18: {  	s0 =	sld [smem:$0x3F9D];
	_ =	swait.ge [sflag:s4], $0x0  }
0x19: {  	s7 =	sld [smem:$0x3F9E]  }
0x1a: {  	s8 =	sadd.s32 $0xFFFFE003, lr  }
0x1b: {  	s9 =	sadd.s32 $0xFFFFFEF7, lr;
	s5 =	simm.s32 $0xFFFFFFFF;
	p2 =	slt.u32 s8, $0xFFFFF086  }
0x1c: {  	p1 =	slt.u32 s9, $0xF7A;
	s5 =	simm.s32 @!p2 $0x0  }
0x1d: {  	s5 =	simm.s32 @p1 $0x1;
	p0 =	seq.s32 s7, s2  }
0x1e: {  	s7 =	smul.u32 @!p0 $0xF7A, s2;
	p2 =	seq.s32 @!p0 s5, $0x0  }
0x1f: {  	s9 =	smul.u32 $0xF7A, s1;
	s8 =	simm.s32 @!p0 $0x1BF5;
	p2 =	por !p2, p0  }
0x20: {  	[sflag:s8] =	ssyncset.s32 @!p0 $0xFFFFF086;
	s6 =	sadd.s32 @!p0 s3, s7;
	s7 =	simm.s32 @!p0 $0x108  }
0x21: {  	s3 =	sadd.s32 s3, s9;
	s6 =	sadd.s32 @!p0 $0x88, s6;
	s7 =	simm.s32 @p2 $0x1082  }
0x22: {  	[simem:s7], [sflag:s8] =	dma.local @!p0 [hbm:s6], $0xF7A  }
0x23: {  	s9 =	sor.u32 $0xD0000000, s2;
	s6 =	simm.s32 $0x108;
	_ =	swait.ge @!p0 [sflag:s8], $0x0  }
0x24: {  	s3 =	sadd.s32 $0x88, s3;
	s6 =	simm.s32 @!p1 $0x1082;
	[sflag:s4] =	ssyncset.s32 $0xFFFFF086  }
0x25: {  	[simem:s6], [sflag:s4] =	dma.local [hbm:s3], $0xF7A  }
0x26: {  	[smem:$0x3F9E] =	sst s1;
	(tag) =	ssettag s2;
	_ =	strace s9  }
0x27: {  	s1 =	sld [smem:$0x3FAE]  }
0x28: {  	s2 =	sld [smem:$0x3FAF]  }
0x29: {  	s4 =	sld [smem:$0x3FB1]  }
0x2a: {  	p0 =	seq.s32 s5, $0x0;
	s5 =	sld [smem:$0x3FB2]  }
0x2b: {  	s6 =	sld [smem:$0x3FB3]  }
0x2c: {  	s7 =	sld [smem:$0x3FB4]  }
0x2d: {  	s3 =	simm.s32 $0x108;
	s8 =	sld [smem:$0x3FB5]  }
0x2e: {  	s3 =	simm.s32 @!p0 $0x1082;
	s9 =	sld [smem:$0x3FB6]  }
0x2f: {  	lr =	sadd.s32 s0, s3;
	s0 =	sld [smem:$0x3FAD]  }
0x30: {  	s3 =	sld [smem:$0x3FB0]  }
0x31: {  	[smem:$0x3FB9] =	sst s10  }
0x32: {  	s10 =	sld [smem:$0x3FB7];
	_ =	sdelay $0x3  }
0x33: {  	p0 =	seq.s32 s10, $0x1;
	s10 =	sld [smem:$0x3FB9];
	_ =	sdelay $0x3  }
0x34: {  	[smem:$0x3FB9] =	sst s10  }
0x35: {  	s10 =	sld [smem:$0x3FB8];
	_ =	sdelay $0x3  }
0x36: {  	p1 =	seq.s32 s10, $0x1;
	s10 =	sld [smem:$0x3FB9];
	_ =	sdelay $0x3  }
0x37: {  	[smem:$0x3FB9] =	sst s10  }
0x38: {  	s10 =	sld [smem:$0x3FBA]  }
0x39: {  	_ = 	snop;
	(pc) =	sbr.ind lr, $3  }
0x3a: {  	_ = 	snop  }
0x3b: {  	_ = 	snop  }
0x3c: {  	p2 =	seq.s32 s10, $0x1;
	s10 =	sld [smem:$0x3FB9]  }
0x3d: {  	_ =	shalt  }
0x3e: {  	_ =	shalt  }
0x3f: {  	_ =	shalt  }
0x40: {  	_ =	shalt  }
0x41: {  	_ =	shalt  }
0x42: {  	_ =	shalt  }
0x43: {  	_ =	shalt  }
0x44: {  	_ =	shalt  }
0x45: {  	_ =	shalt  }
0x46: {  	_ =	shalt  }
0x47: {  	_ =	shalt  }
0x48: {  	_ =	shalt  }
0x49: {  	_ =	shalt  }
0x4a: {  	_ =	shalt  }
0x4b: {  	_ =	shalt  }
0x4c: {  	_ =	shalt  }
0x4d: {  	_ =	shalt  }
0x4e: {  	_ =	shalt  }
0x4f: {  	_ =	shalt  }
0x50: {  	_ =	shalt  }
0x51: {  	_ =	shalt  }
0x52: {  	_ =	shalt  }
0x53: {  	_ =	shalt  }
0x54: {  	_ =	shalt  }
0x55: {  	_ =	shalt  }
0x56: {  	_ =	shalt  }
0x57: {  	_ =	shalt  }
0x58: {  	_ =	shalt  }
0x59: {  	_ =	shalt  }
0x5a: {  	_ =	shalt  }
0x5b: {  	_ =	shalt  }
0x5c: {  	_ =	shalt  }
0x5d: {  	_ =	shalt  }
0x5e: {  	_ =	shalt  }
0x5f: {  	_ =	shalt  }
0x60: {  	_ =	shalt  }
0x61: {  	_ =	shalt  }
0x62: {  	_ =	shalt  }
0x63: {  	_ =	shalt  }
0x64: {  	_ =	shalt  }
0x65: {  	_ =	shalt  }
0x66: {  	_ =	shalt  }
0x67: {  	_ =	shalt  }
0x68: {  	_ =	shalt  }
0x69: {  	_ =	shalt  }
0x6a: {  	_ =	shalt  }
0x6b: {  	_ =	shalt  }
0x6c: {  	_ =	shalt  }
0x6d: {  	_ =	shalt  }
0x6e: {  	_ =	shalt  }
0x6f: {  	_ =	shalt  }
0x70: {  	_ =	shalt  }
0x71: {  	_ =	shalt  }
0x72: {  	_ =	shalt  }
0x73: {  	_ =	shalt  }
0x74: {  	_ =	shalt  }
0x75: {  	_ =	shalt  }
0x76: {  	_ =	shalt  }
0x77: {  	_ =	shalt  }
0x78: {  	_ =	shalt  }
0x79: {  	_ =	shalt  }
0x7a: {  	_ =	shalt  }
0x7b: {  	_ =	shalt  }
0x7c: {  	_ =	shalt  }
0x7d: {  	_ =	shalt  }
0x7e: {  	_ =	shalt  }
0x7f: {  	_ =	shalt  }
0x80: {  	_ =	shalt  }
0x81: {  	_ =	shalt  }
0x82: {  	_ =	shalt  }
0x83: {  	_ =	shalt  }
0x84: {  	_ =	shalt  }
0x85: {  	_ =	shalt  }
0x86: {  	_ =	shalt  }
0x87: {  	_ =	shalt  }
.Lfunc_end0:
.L_simem_size_0:
called_computation_lowered:
.L_overlay_start_0:
0x88: {  	s2 =	sld [smem:$0x3FD9]  }
0x89: {  	s3 =	sld [smem:$0x3FFE];
	_ =	sdelay $0x1  }
0x8a: {  	s1 =	srdreg.scid  }
0x8b: {  	s0 =	sand.u32 $0x1, s1  }
0x8c: {  	s14 =	sshll.u32 s0, $0xA;
	s2 =	sadd.s32 s3, s2  }
0x8d: {  	s2 =	sadd.s32 s2, s14  }
0x8e: {  	[smem:$0x3FC5] =	sst s2  }
0x8f: {  	_ = 	snop  }
0x90: {  	s2 =	sld [smem:$0x3FD0];
	_ =	sdelay $0x2  }
0x91: {  	s15 =	simm.s32 $0xA;
	s4 =	simm.s32 $0x10  }
0x92: {  	[smem:s4], [sflag:s15] =	dma.local [hbm:s2], $0x1  }
0x93: {  	_ =	swait.eq [sflag:s15], $0x1  }
0x94: {  	[sflag:s15] =	ssyncset.done $0x0  }
0x95: {  	[sflag:s15] =	ssyncadd.s32 $0xFFFFFFFF  }
0x96: {  	s16 =	sld [smem:$0x10];
	(tm) =	ssettm $0x1  }
0x97: {  	s17 =	sld [smem:$0x3FFB];
	_ =	sdelay $0x3  }
0x98: {  	_ =	strace s17  }
0x99: {  	s3 =	sld [smem:$0x3FFC];
	_ =	sdelay $0x3  }
0x9a: {  	_ =	strace s3  }
0x9b: {  	s3 =	sld [smem:$0x3FFD];
	_ =	sdelay $0x3  }
0x9c: {  	_ =	strace s3  }
0x9d: {  	_ =	strace $0x8FFFFFFF  }
0x9e: {  	s18 =	sld [smem:$0x3FDB];
	_ =	sdelay $0x1  }
0x9f: {  	s19 =	simm.s32 $_scs_section_size  }
0xa0: {  	s5 =	simm.s32 $_size__tile_overlayer_lowered;
	s6 =	simm.s32 $_tile_overlayer_lowered  }
0xa1: {  	s22 =	simm.s32 $0x1BFF;
	s21 =	sshll.u32 s6, $0x1;
	s3 =	sadd.s32 s19, s18  }
0xa2: {  	s7 =	simm.s32 $0x0;
	s20 =	sshll.u32 s5, $0x1;
	s5 =	sadd.s32 s21, s3  }
0xa3: {  	[timem:s7], [sflag:s22] =	dma.local [hbm:s5], s20  }
0xa4: {  	_ =	swait.ge [sflag:s22], s20  }
0xa5: {  	s4 =	ssub.s32 $0x0, s20;
	[sflag:s22] =	ssyncset.done $0x0  }
0xa6: {  	[sflag:s22] =	ssyncadd.s32 s4;
	_ =	sdelay $0x1  }
0xa7: {  	s23 =	simm.s32 $0x1B8B  }
0xa8: {  	_ =	swait.ge [sflag:s23], $0x1  }
0xa9: {  	[sflag:s23] =	ssyncset.done $0x0  }
0xaa: {  	s25 =	simm.s32 $0x1B8E;
	s24 =	sld [smem:$0x3FFE];
	[sflag:s23] =	ssyncadd.s32 $0xFFFFFFFF  }
0xab: {  	s26 =	simm.s32 $execute0_lowered;
	[smem:$0x3FD2] =	sst s25  }
0xac: {  	s5 =	sshll.u32 s26, $0x1;
	_ =	strace $0x80000046;
	[dreg:$0x1] =	wrdreg $0xFFFFFFFF  }
0xad: {  	s28 =	simm.s32 $_size_execute0_lowered;
	s3 =	sadd.s32 s3, s5;
	[dreg:$0x0] =	wrdreg $0x0  }
0xae: {  	s5 =	sshll.u32 s28, $0x1;
	[dreg:$0x2] =	wrdreg s3  }
0xaf: {  	[dreg:$0x3] =	wrdreg s5  }
0xb0: {  	[dreg:$0x4] =	wrdreg $0xC0  }
0xb1: {  	_ =	task [dreg:s7], $0x5FFFF  }
0xb2: {  	[dreg:$0x1] =	wrdreg $0xFFFFFFFF  }
0xb3: {  	[dreg:$0x0] =	wrdreg $0x60  }
0xb4: {  	[dreg:$0x2] =	wrdreg s24  }
0xb5: {  	[dreg:$0x3] =	wrdreg s16  }
0xb6: {  	[dreg:$0x4] =	wrdreg $0x800  }
0xb7: {  	[dreg:$0x5] =	wrdreg $0x9  }
0xb8: {  	_ =	task.clear_ibuf [dreg:s7], $0x6FFFF;
	_ =	strace $0x90000046  }
0xb9: {  	s29 =	simm.s32 $0x9;
	_ =	strace $0x80000048  }
0xba: {  	_ =	swait.ge [sflag:s29], $0x1  }
0xbb: {  	[sflag:s29] =	ssyncadd.s32 $0xFFFFFFFF  }
0xbc: {  	_ =	strace $0x90000048  }
0xbd: {  	_ =	sfence  }
0xbe: {  	s30 =	sld [smem:$0x0];
	_ =	sdelay $0x2  }
0xbf: {  	s31 =	sshll.u32 s1, $0xD;
	s1 =	sshrl.u32 s1, $0x2  }
0xc0: {  	s3 =	sand.u32 $0x4000, s31;
	s1 =	sadd.s32 s1, s30  }
0xc1: {  	s0 =	sor.u32 s3, s0;
	s1 =	sshll.u32 s1, $0x11  }
0xc2: {  	s0 =	sor.u32 s1, s0  }
0xc3: {  	s0 =	sadd.s32 $0x8F2B, s0  }
0xc4: {  	[sflag:s0] =	ssyncadd.remote.s32 $0x1  }
0xc5: {  	_ =	sfence.sel $0xFFFF  }
0xc6: {  	[dreg:$0x0] =	wrdreg $0xFFFFFFFF;
	(pc) =	sbr.abs _section_cstart, $3  }
0xc7: {  	[dreg:$0x1] =	wrdreg $0xFFFFFFFF  }
0xc8: {  	_ =	task.clear_ibuf [dreg:s7], $0x2FFFF;
	_ =	strace $0x9FFFFFFF  }
0xc9: {  	(tm) =	ssettm $0x7FFFFFFF  }
tec
execute0_lowered:
.L_overlay_start_1:
0x0: {  	(tag) =	ssettag $0x1  }
0x1: {  	s2 =	rddreg [dreg:$0x0]  }
0x2: {  	s1 =	rddreg [dreg:$0x1]  }
0x3: {  	s24 =	rddreg [dreg:$0x2]  }
0x4: {  	s0 =	simm.s32 $0x0;
	s23 =	stileid.u32;
	s3 =	srdreg.scid  }
0x5: {  	[smem:$0x7FF] =	sst s0;
	s0 =	sand.u32 $0x7, s23;
	s5 =	sadd.s32 $0x800, s2  }
0x6: {  	s3 =	sand.u32 $0x1, s3;
	s6 =	sadd.s32 $0xA00, s2;
	s19 =	sshrl.u32 s23, $0x3  }
0x7: {  	s14 =	sshll.u32 s23, $0x10;
	p3 =	sgt.u32 s23, $0xD;
	s28 =	sshll.u32 s23, $0x6  }
0x8: {  	s23 =	simm.s32 $0x1;
	_ =	strace $0x80000047;
	s8 =	smul.u32 $0x158, s0  }
0x9: {  	s4 =	sshll.u32 s0, $0x3;
	s7 =	ssub.s32 $0x2, s3;
	s16 =	smul.u32 $0x268, s0  }
0xa: {  	s3 =	sshll.u32 s3, $0x1;
	p4 =	sne.s32 s0, $0x7;
	s9 =	sor.u32 $0x1, s4  }
0xb: {  	s30 =	sor.u32 $0x1C01, s28;
	s11 =	sor.u32 $0x2, s4;
	s10 =	smul.u32 $0x2B, s9  }
0xc: {  	s15 =	sshrl.u32 s7, $0x1;
	s13 =	sor.u32 $0x3, s4;
	s12 =	smul.u32 $0x2B, s11  }
0xd: {  	s3 =	sor.u32 s19, s3;
	s25 =	sor.u32 $0x4, s4;
	s20 =	smul.u32 $0x2B, s13  }
0xe: {  	s2 =	ssub.s32 s7, s15;
	s17 =	sshrl.u32 s8, $0xA;
	s26 =	smul.u32 $0x2B, s25  }
0xf: {  	[dreg:$0x4] =	wrdreg s16;
	s16 =	sor.u32 $0x5, s4;
	s7 =	smul.u32 $0x18, s17  }
0x10: {  	s19 =	sshllo.u32 s0, $0x3;
	s0 =	sadd.s32 $0x104000, s24;
	s17 =	smul.u32 $0x2B, s16  }
0x11: {  	s18 =	sshrl.u32 s10, $0xA;
	s10 =	sshrl.u32 s20, $0xA;
	s20 =	smul.u32 $0x2B, s19  }
0x12: {  	p0 =	seq.s32 s3, $0x3;
	s12 =	sshrl.u32 s12, $0xA;
	s8 =	smul.u32 $0x18, s18  }
0x13: {  	p1 =	seq.s32 s3, $0x2;
	p2 =	seq.s32 s3, $0x1;
	s12 =	smul.u32 $0x18, s12  }
0x14: {  	s7 =	ssub.s32 s4, s7;
	s10 =	smul.u32 $0x18, s10;
	s4 =	sor.u32 $0x6, s4  }
0x15: {  	s0 =	sshrl.u32 s0, $0x3;
	s17 =	sshrl.u32 s17, $0xA;
	s18 =	smul.u32 $0x2B, s4  }
0x16: {  	[dreg:$0xa] =	wrdreg s0;
	s7 =	sand.u32 $0xF8, s7;
	s17 =	smul.u32 $0x18, s17  }
0x17: {  	s31 =	sshrl.u32 s20, $0xA;
	s7 =	smul.u32 $0x50000, s7;
	s9 =	ssub.s32 s9, s8  }
0x18: {  	s8 =	sadd.s32 s14, s24;
	s22 =	ssub.s32 s11, s12;
	s12 =	sshrl.u32 s26, $0xA  }
0x19: {  	s10 =	ssub.s32 s13, s10;
	s9 =	sand.u32 $0xF9, s9;
	s12 =	smul.u32 $0x18, s12  }
0x1a: {  	s26 =	sadd.s32 $0xA0000, s24;
	s10 =	sand.u32 $0xFB, s10;
	s21 =	smul.u32 $0x50000, s9  }
0x1b: {  	s13 =	sadd.s32 $0x100000, s8;
	s18 =	sshrl.u32 s18, $0xA;
	s10 =	smul.u32 $0x50000, s10  }
0x1c: {  	s16 =	ssub.s32 s16, s17;
	s9 =	sand.u32 $0xFA, s22;
	s29 =	smul.u32 $0x18, s18  }
0x1d: {  	s7 =	sshrl.u32 s7, $0x2;
	s18 =	smul.u32 $0x18, s31;
	s16 =	sand.u32 $0xFD, s16  }
0x1e: {  	s31 =	sadd.s32 $0xF0000, s24;
	s15 =	smul.u32 $0x50000, s9;
	s9 =	sshll.u32 s3, $0x17  }
0x1f: {  	s7 =	sadd.s32 s7, s24;
	s11 =	ssub.s32 s25, s12;
	s20 =	smul.u32 $0x50000, s16  }
0x20: {  	s3 =	sadd.s32 $0x12C000, s24;
	s14 =	sshrl.u32 s21, $0x2;
	s11 =	sand.u32 $0xFC, s11  }
0x21: {  	s4 =	ssub.s32 s4, s29;
	s21 =	ssub.s32 s19, s18;
	s10 =	sshrl.u32 s10, $0x2  }
0x22: {  	s29 =	sadd.s32 $0xB4000, s24;
	s19 =	sshrl.u32 s26, $0x3;
	s0 =	sshrl.u32 s3, $0x3  }
0x23: {  	s3 =	sor.u32 $0x50000, s9;
	s14 =	sadd.s32 s14, s24;
	s15 =	sshrl.u32 s15, $0x2  }
0x24: {  	s11 =	smul.u32 $0x50000, s11;
	s4 =	sand.u32 $0xFE, s4;
	s16 =	sand.u32 $0xFF, s21  }
0x25: {  	s17 =	sadd.s32 s10, s24;
	s22 =	sshrl.u32 s20, $0x2;
	s21 =	sadd.s32 $0xC8000, s24  }
0x26: {  	s10 =	smax.u32 s2, $0x1;
	[dreg:$0x5] =	wrdreg s19;
	s20 =	sshrl.u32 s29, $0x3  }
0x27: {  	s29 =	sshrl.u32 s31, $0x3;
	s31 =	sadd.s32 $0x118000, s24;
	s4 =	smul.u32 $0x50000, s4  }
0x28: {  	[dreg:$0xc] =	wrdreg s0;
	s15 =	sadd.s32 s15, s24;
	s16 =	smul.u32 $0x50000, s16  }
0x29: {  	s12 =	sadd.s32 s22, s24;
	s22 =	sadd.s32 $0xDC000, s24;
	[dreg:$0x6] =	wrdreg s20  }
0x2a: {  	[dreg:$0x9] =	wrdreg s29;
	s2 =	sshrl.u32 s31, $0x3;
	s14 =	sshrl.u32 s14, $0x3  }
0x2b: {  	s20 =	sshrl.u32 s17, $0x3;
	s29 =	sor.u32 $0x28000, s9;
	[dreg:$0xb] =	wrdreg s2  }
0x2c: {  	s31 =	sor.u32 $0x3C000, s9;
	s17 =	sor.u32 $0x488000, s9;
	[dreg:$0xe] =	wrdreg s14  }
0x2d: {  	s11 =	sshrl.u32 s11, $0x2;
	s26 =	sshrl.u32 s22, $0x3;
	[dreg:$0x10] =	wrdreg s20  }
0x2e: {  	s19 =	sshrl.u32 s15, $0x3;
	s22 =	sshrl.u32 s12, $0x3;
	[dreg:$0x16] =	wrdreg s29  }
0x2f: {  	[dreg:$0x17] =	wrdreg s31;
	s12 =	sor.u32 $0x8C000, s9;
	s14 =	sor.u32 $0x44C000, s9  }
0x30: {  	s15 =	sor.u32 $0x460000, s9;
	s20 =	sor.u32 $0x4C4000, s9;
	s18 =	sadd.s32 s11, s24  }
0x31: {  	s4 =	sshrl.u32 s4, $0x2;
	s25 =	sshrl.u32 s16, $0x2;
	[dreg:$0x8] =	wrdreg s26  }
0x32: {  	s11 =	sshrl.u32 @!p3 s13, $0x3;
	s13 =	sshrl.u32 s7, $0x3;
	[dreg:$0xf] =	wrdreg s19  }
0x33: {  	[dreg:$0x12] =	wrdreg s22;
	s26 =	sor.u32 $0x14000, s9;
	s7 =	sor.u32 $0x78000, s9  }
0x34: {  	s19 =	sor.u32 $0x4B0000, s9;
	s22 =	simm.s32 $0x3;
	s4 =	sadd.s32 s4, s24  }
0x35: {  	s16 =	sadd.s32 s25, s24;
	s25 =	sshrl.u32 s21, $0x3;
	[dreg:$0xd] =	wrdreg s13  }
.Ltmp0:
0x36: {  	s21 =	sshrl.u32 s18, $0x3;
	[dreg:$0x15] =	wrdreg s26;
	(pc) =	sbr.rel .LBB2_1-.Ltmp0, $4  }
0x37: {  	s13 =	sor.u32 $0x438000, s9;
	s18 =	sor.u32 $0x49C000, s9;
	[dreg:$0x7] =	wrdreg s25  }
0x38: {  	[dreg:$0x11] =	wrdreg s21;
	s24 =	sshrl.u32 s4, $0x3;
	s25 =	sshrl.u32 s16, $0x3  }
0x39: {  	s4 =	sor.u32 $0x64000, s9;
	s16 =	sor.u32 $0x474000, s9;
	[dreg:$0x13] =	wrdreg s24  }
0x3a: {  	s21 =	sor.u32 $0x4CC000, s9;
	[dreg:$0x14] =	wrdreg s25;
	s24 =	simm.s32 $0x2  }
.LBB2_2:
0x3b: {  	s29 =	sshll.u32 s29, $0xA  }
0x3c: {  	s31 =	sadd.s32 s13, s29  }
0x3d: {  	s31 =	sshrl.u32 s31, $0x3  }
0x3e: {  	s0 =	sor.u32 $0x1C02, s28;
	s2 =	rddreg [dreg:$0x5];
	s31 =	sadd.s32 s1, s31  }
0x3f: {  	[hbm:s31], [sflag:s0] =	dma.local [spmem:s2], $0x2800  }
0x40: {  	s2 =	sadd.s32 s14, s29  }
0x41: {  	s31 =	sshrl.u32 s2, $0x3  }
0x42: {  	s2 =	rddreg [dreg:$0x6];
	s31 =	sadd.s32 s1, s31  }
0x43: {  	[hbm:s31], [sflag:s0] =	dma.local [spmem:s2], $0x2800  }
0x44: {  	s2 =	sadd.s32 s15, s29  }
0x45: {  	s31 =	sshrl.u32 s2, $0x3  }
0x46: {  	s2 =	rddreg [dreg:$0x7];
	s31 =	sadd.s32 s1, s31  }
0x47: {  	[hbm:s31], [sflag:s0] =	dma.local [spmem:s2], $0x2800  }
0x48: {  	s2 =	sadd.s32 s16, s29  }
0x49: {  	s31 =	sshrl.u32 s2, $0x3  }
0x4a: {  	s2 =	rddreg [dreg:$0x8];
	s31 =	sadd.s32 s1, s31  }
0x4b: {  	[hbm:s31], [sflag:s0] =	dma.local [spmem:s2], $0x2800  }
0x4c: {  	s2 =	sadd.s32 s17, s29  }
0x4d: {  	s31 =	sshrl.u32 s2, $0x3  }
0x4e: {  	s2 =	rddreg [dreg:$0x9];
	s31 =	sadd.s32 s1, s31  }
0x4f: {  	[hbm:s31], [sflag:s0] =	dma.local [spmem:s2], $0x2800  }
0x50: {  	s2 =	sadd.s32 s18, s29  }
0x51: {  	s31 =	sshrl.u32 s2, $0x3  }
0x52: {  	s2 =	rddreg [dreg:$0xa];
	s31 =	sadd.s32 s1, s31  }
0x53: {  	[hbm:s31], [sflag:s0] =	dma.local [spmem:s2], $0x2800  }
0x54: {  	s2 =	sadd.s32 s19, s29  }
0x55: {  	s29 =	sadd.s32 s20, s29;
	s31 =	sshrl.u32 s2, $0x3  }
0x56: {  	s2 =	rddreg [dreg:$0xb];
	s29 =	sshrl.u32 s29, $0x3;
	s31 =	sadd.s32 s1, s31  }
0x57: {  	[hbm:s31], [sflag:s0] =	dma.local [spmem:s2], $0x2800  }
0x58: {  	s29 =	sadd.s32 s1, s29;
	s31 =	sadd.s32 $0x1333, s25;
	s2 =	rddreg [dreg:$0xc]  }
0x59: {  	[hbm:s29], [sflag:s0] =	dma.local [spmem:s2], $0x1000  }
0x5a: {  	s29 =	sand.u32 $0xFFFFFFF8, s31  }
0x5b: {  	s26 =	ssub.s32 s29, s26  }
0x5c: {  	p5 =	slt.s32 s26, $0x1329  }
0x5d: {  	s25 =	sshll.u32 @!p5 s25, $0xA  }
0x5e: {  	s25 =	sand.u32 @!p5 $0xFFFFE000, s25  }
0x5f: {  	s25 =	sadd.s32 @!p5 s25, s21  }
0x60: {  	s26 =	rddreg [dreg:$0x2];
	s25 =	sshrl.u32 @!p5 s25, $0x3  }
0x61: {  	s26 =	sshrl.u32 @!p5 s26, $0x3;
	s25 =	sadd.s32 @!p5 s1, s25  }
0x62: {  	[hbm:s25], [sflag:s0] =	dma.local @!p5 [spmem:s26], $0x400  }
0x63: {  	_ =	swait.ge [sflag:s24], $0x2800  }
0x64: {  	[sflag:s24] =	ssyncset.done $0x0  }
0x65: {  	[sflag:s24] =	ssyncadd.s32 $0xFFFFD800  }
0x66: {  	_ =	swait.ge [sflag:s24], $0x2800  }
0x67: {  	[sflag:s24] =	ssyncset.done $0x0  }
0x68: {  	[sflag:s24] =	ssyncadd.s32 $0xFFFFD800  }
0x69: {  	_ =	swait.ge [sflag:s24], $0x2800  }
0x6a: {  	[sflag:s24] =	ssyncset.done $0x0  }
0x6b: {  	[sflag:s24] =	ssyncadd.s32 $0xFFFFD800  }
0x6c: {  	_ =	swait.ge [sflag:s24], $0x2800  }
0x6d: {  	[sflag:s24] =	ssyncset.done $0x0  }
0x6e: {  	[sflag:s24] =	ssyncadd.s32 $0xFFFFD800  }
0x6f: {  	_ =	swait.ge [sflag:s24], $0x2800  }
0x70: {  	[sflag:s24] =	ssyncset.done $0x0  }
0x71: {  	[sflag:s24] =	ssyncadd.s32 $0xFFFFD800  }
0x72: {  	_ =	swait.ge [sflag:s24], $0x2800  }
0x73: {  	[sflag:s24] =	ssyncset.done $0x0  }
0x74: {  	[sflag:s24] =	ssyncadd.s32 $0xFFFFD800  }
0x75: {  	_ =	swait.ge [sflag:s24], $0x2800  }
0x76: {  	[sflag:s24] =	ssyncset.done $0x0  }
0x77: {  	[sflag:s24] =	ssyncadd.s32 $0xFFFFD800  }
0x78: {  	_ =	swait.ge [sflag:s24], $0x1000  }
0x79: {  	[sflag:s24] =	ssyncset.done $0x0  }
0x7a: {  	s0 =	simm.s32 @!p5 $0x2;
	[sflag:s24] =	ssyncadd.s32 $0xFFFFF000  }
0x7b: {  	_ =	swait.ge @!p5 [sflag:s0], $0x400  }
0x7c: {  	[sflag:s0] =	ssyncset.done @!p5 $0x0  }
0x7d: {  	[sflag:s0] =	ssyncadd.s32 @!p5 $0xFFFFFC00  }
.LBB2_3:
0x7e: {  	s10 =	sadd.s32 $0xFFFFFFFF, s10  }
0x7f: {  	p5 =	sne.s32 s10, $0x0  }
.Ltmp1:
0x80: {  	_ = 	snop;
	(pc) =	sbr.rel @!p5 .LBB2_4-.Ltmp1, $1  }
0x81: {  	_ =	sdelay $0x3  }
.LBB2_1:
0x82: {  	s25 =	sshrl.u32 s8, $0x3;
	s0 =	simm.s32 $0x0  }
0x83: {  	[spmem:s25], [sflag:s30] =	dma.local [hbm:s6], $0x2000  }
0x84: {  	[spmem:s11], [sflag:s30] =	dma.local @!p3 [hbm:s6], $0x2000  }
0x85: {  	[tilespmem:s0], [sflag:$0x3] =	stream.linear.gather [hbm4b:s5+s0], $0x80, $0x38;
	[tilespmem:$0x1E080] =	vst v63  }
0x86: {  	_ =	swait.ge [sflag:s22], $0x80  }
0x87: {  	[sflag:s22] =	ssyncset.done $0x0  }
0x88: {  	[sflag:s22] =	ssyncadd.s32 $0xFFFFFF80  }
0x89: {  	v0 =	vld [tilespmem:$0x0];
	_ =	sdelay $0x4  }
0x8a: {  	(v2sf) =	vpush v0, $0x0  }
0x8b: {  	(v2sf) =	vpush v0, $0x1  }
0x8c: {  	(v2sf) =	vpush v0, $0x2  }
0x8d: {  	(v2sf) =	vpush v0, $0x3;
	_ =	sdelay $0xb  }
0x8e: {  	s25 =	spop (v2sf)  }
0x8f: {  	s26 =	spop (v2sf)  }
0x90: {  	s29 =	spop (v2sf)  }
0x91: {  	s31 =	spop (v2sf)  }
0x92: {  	_ =	swait.ge [sflag:s23], $0x2000  }
0x93: {  	[sflag:s23] =	ssyncset.done $0x0  }
0x94: {  	s25 =	smov.u32 @p2 s26;
	s26 =	simm.s32 @!p3 $0x1;
	[sflag:s23] =	ssyncadd.s32 $0xFFFFE000  }
.Ltmp2:
0x95: {  	_ =	swait.ge @!p3 [sflag:s26], $0x2000;
	(pc) =	sbr.rel @!p4 .LBB2_2-.Ltmp2, $4  }
0x96: {  	s25 =	smov.u32 @p1 s29;
	[sflag:s26] =	ssyncset.done @!p3 $0x0  }
0x97: {  	s25 =	smov.u32 @p0 s31;
	[sflag:s26] =	ssyncadd.s32 @!p3 $0xFFFFE000  }
0x98: {  	s29 =	sand.u32 $0xFFFFFFF8, s25;
	[bflag:$0x0] =	sbarrier.arrive $0xFFFF  }
0x99: {  	s26 =	sadd.s32 $0x8, s29  }
0x9a: {  	s0 =	rddreg [dreg:$0x4]  }
0x9b: {  	s0 =	sadd.s32 s0, s26  }
0x9c: {  	s0 =	sshll.u32 s0, $0xA  }
0x9d: {  	s25 =	sadd.s32 s9, s0  }
0x9e: {  	s25 =	sshrl.u32 s25, $0x3  }
0x9f: {  	s2 =	rddreg [dreg:$0xd];
	s26 =	sor.u32 $0x1C02, s28;
	s25 =	sadd.s32 s1, s25  }
0xa0: {  	[hbm:s25], [sflag:s26] =	dma.local [spmem:s2], $0x2800  }
0xa1: {  	s2 =	rddreg [dreg:$0x15]  }
0xa2: {  	s29 =	sadd.s32 s2, s0  }
0xa3: {  	s25 =	sshrl.u32 s29, $0x3  }
0xa4: {  	s31 =	rddreg [dreg:$0xe];
	s25 =	sadd.s32 s1, s25  }
0xa5: {  	[hbm:s25], [sflag:s26] =	dma.local [spmem:s31], $0x2800  }
0xa6: {  	s2 =	rddreg [dreg:$0x16]  }
0xa7: {  	s29 =	sadd.s32 s2, s0  }
0xa8: {  	s25 =	sshrl.u32 s29, $0x3  }
0xa9: {  	s31 =	rddreg [dreg:$0xf];
	s25 =	sadd.s32 s1, s25  }
0xaa: {  	[hbm:s25], [sflag:s26] =	dma.local [spmem:s31], $0x2800  }
0xab: {  	s2 =	rddreg [dreg:$0x17]  }
0xac: {  	s29 =	sadd.s32 s2, s0  }
0xad: {  	s25 =	sshrl.u32 s29, $0x3  }
0xae: {  	s31 =	rddreg [dreg:$0x10];
	s2 =	sadd.s32 s3, s0;
	s25 =	sadd.s32 s1, s25  }
0xaf: {  	[hbm:s25], [sflag:s26] =	dma.local [spmem:s31], $0x2800  }
0xb0: {  	s25 =	sshrl.u32 s2, $0x3  }
0xb1: {  	s29 =	sadd.s32 s4, s0;
	s25 =	sadd.s32 s1, s25;
	s2 =	rddreg [dreg:$0x11]  }
0xb2: {  	[hbm:s25], [sflag:s26] =	dma.local [spmem:s2], $0x2800  }
0xb3: {  	s25 =	sshrl.u32 s29, $0x3  }
0xb4: {  	s31 =	sadd.s32 s7, s0;
	s25 =	sadd.s32 s1, s25;
	s2 =	rddreg [dreg:$0x12]  }
0xb5: {  	[hbm:s25], [sflag:s26] =	dma.local [spmem:s2], $0x2800  }
0xb6: {  	s0 =	sadd.s32 s12, s0;
	s25 =	sshrl.u32 s31, $0x3  }
0xb7: {  	s0 =	sshrl.u32 s0, $0x3;
	s25 =	sadd.s32 s1, s25;
	s2 =	rddreg [dreg:$0x13]  }
0xb8: {  	[hbm:s25], [sflag:s26] =	dma.local [spmem:s2], $0x2800  }
0xb9: {  	s0 =	sadd.s32 s1, s0;
	s2 =	rddreg [dreg:$0x14]  }
0xba: {  	[hbm:s0], [sflag:s26] =	dma.local [spmem:s2], $0x1C00  }
0xbb: {  	_ =	swait.ge [sflag:s24], $0x2800  }
0xbc: {  	[sflag:s24] =	ssyncset.done $0x0  }
0xbd: {  	[sflag:s24] =	ssyncadd.s32 $0xFFFFD800  }
0xbe: {  	_ =	swait.ge [sflag:s24], $0x2800  }
0xbf: {  	[sflag:s24] =	ssyncset.done $0x0  }
0xc0: {  	[sflag:s24] =	ssyncadd.s32 $0xFFFFD800  }
0xc1: {  	_ =	swait.ge [sflag:s24], $0x2800  }
0xc2: {  	[sflag:s24] =	ssyncset.done $0x0  }
0xc3: {  	[sflag:s24] =	ssyncadd.s32 $0xFFFFD800  }
0xc4: {  	_ =	swait.ge [sflag:s24], $0x2800  }
0xc5: {  	[sflag:s24] =	ssyncset.done $0x0  }
0xc6: {  	[sflag:s24] =	ssyncadd.s32 $0xFFFFD800  }
0xc7: {  	_ =	swait.ge [sflag:s24], $0x2800  }
0xc8: {  	[sflag:s24] =	ssyncset.done $0x0  }
0xc9: {  	[sflag:s24] =	ssyncadd.s32 $0xFFFFD800  }
0xca: {  	_ =	swait.ge [sflag:s24], $0x2800  }
0xcb: {  	[sflag:s24] =	ssyncset.done $0x0  }
0xcc: {  	[sflag:s24] =	ssyncadd.s32 $0xFFFFD800  }
0xcd: {  	_ =	swait.ge [sflag:s24], $0x2800  }
.Ltmp3:
0xce: {  	[sflag:s24] =	ssyncset.done $0x0;
	(pc) =	sbr.rel .LBB2_3-.Ltmp3, $4  }
0xcf: {  	[sflag:s24] =	ssyncadd.s32 $0xFFFFD800  }
0xd0: {  	_ =	swait.ge [sflag:s24], $0x1C00  }
0xd1: {  	[sflag:s24] =	ssyncset.done $0x0  }
0xd2: {  	[sflag:s24] =	ssyncadd.s32 $0xFFFFE400  }
.LBB2_4:
0xd3: {  	_ =	sfence.sel $0x180000  }
0xd4: {  	[bflag:$0x0] =	sbarrier.arrive $0xFFFF  }
0xd5: {  	_ =	strace $0x90000047  }
0xd6: {  	s0 =	stileid.u32;
	[bflag:$0x2] =	sbarrier.arrive $0xFFFF  }
0xd7: {  	p0 =	sne.s32 s0, $0x0;
	s0 =	rddreg [dreg:$0x3]  }
0xd8: {  	s0 =	sadd.s32 @!p0 $0x100000, s0  }
0xd9: {  	[sflag:s0] =	ssyncadd.tile.s32 @!p0 $0x1;
	_ =	shalt  }
.Lfunc_end2:
_tile_overlayer_lowered:
.L_overlay_start_2:
0xda: {  	(tag) =	ssettag $0x2  }
0xdb: {  	s0 =	rddreg [dreg:$0x0];
	s2 =	stileid.u32  }
0xdc: {  	s1 =	rddreg [dreg:$0x1];
	p0 =	sne.s32 s2, $0x0  }
0xdd: {  	s3 =	rddreg [dreg:$0x2];
	[bflag:$0x3] =	sbarrier.arrive $0xFFFF;
	s2 =	simm.s32 @!p0 $0x1C03  }
0xde: {  	[timem:s3], [sflag:s2] =	dma.local @!p0 [hbm:s0], s1  }
0xdf: {  	s0 =	simm.s32 @!p0 $0x3  }
0xe0: {  	_ =	swait.ge @!p0 [sflag:s0], s1  }
0xe1: {  	s1 =	ssub.s32 @!p0 $0x0, s1;
	[sflag:s0] =	ssyncset.done @!p0 $0x0  }
0xe2: {  	[sflag:s0] =	ssyncadd.s32 @!p0 s1  }
0xe3: {  	[bflag:$0x3] =	sbarrier.arrive $0xFFFF  }
0xe4: {  	_ =	shalt  }

</sc_bundles>
